<compile_context>
chip_gen: v7x
topology: tpu7x:2x2x1
jax: 0.10.2.dev20260603
libtpu: 0.0.44.dev20260713+nightly
codegen_flags: <defaults>
</compile_context>

<pallas_src>
import functools

import jax
import jax.numpy as jnp
from jax import lax
from jax.experimental import pallas as pl
from jax.experimental.pallas import tpu as pltpu
from jax.experimental.pallas import tpu_sc as plsc

N = 10000
D = 128
E = 320000
NC, NS = 2, 16
NW = NC * NS
K = 79
EPW = K * 128
EPAD = NW * EPW
NP = N + 16
ACC = 10240
RPT = ACC // NS

_mesh = plsc.VectorSubcoreMesh(core_axis_name="c", subcore_axis_name="s")


@functools.partial(
    pl.kernel,
    out_type=jax.ShapeDtypeStruct((NC, ACC), jnp.float32),
    mesh=_mesh,
    scratch_types=[
        pltpu.VMEM((K, 128), jnp.int32),
        pltpu.VMEM((128,), jnp.float32),
        pltpu.VMEM((RPT,), jnp.float32),
        pltpu.VMEM_SHARED((ACC,), jnp.float32),
    ],
)
def _deg_kernel(dst_hbm, ones_hbm, zer_hbm, out_hbm, idx_v, ones_v, z_v, acc_s):
    c = lax.axis_index("c")
    s = lax.axis_index("s")
    wid = s * NC + c
    pltpu.sync_copy(ones_hbm, ones_v)
    pltpu.sync_copy(zer_hbm, z_v)
    pltpu.sync_copy(z_v, acc_s.at[pl.ds(s * RPT, RPT)])
    plsc.subcore_barrier()
    pltpu.sync_copy(dst_hbm.at[wid], idx_v)

    def body(j, carry):
        pltpu.sync_copy(ones_v, acc_s.at[idx_v.at[j]], add=True)
        return carry

    lax.fori_loop(0, K, body, 0)
    plsc.subcore_barrier()
    pltpu.sync_copy(acc_s.at[pl.ds(s * RPT, RPT)], out_hbm.at[c, pl.ds(s * RPT, RPT)])


@functools.partial(
    pl.kernel,
    out_type=jax.ShapeDtypeStruct((NC, ACC, D), jnp.float32),
    mesh=_mesh,
    scratch_types=[
        pltpu.VMEM((3, 2, 128), jnp.int32),
        pltpu.VMEM((2, 128, D), jnp.float32),
        pltpu.VMEM_SHARED((ACC, D), jnp.float32),
        pltpu.SemaphoreType.DMA((3,)),
        pltpu.SemaphoreType.DMA((2,)),
    ],
)
def _agg_kernel(g_hbm, idx_hbm, zer_hbm, out_hbm,
                idx_v, rows_v, acc_s, isem, sem):
    c = lax.axis_index("c")
    s = lax.axis_index("s")
    wid = s * NC + c
    pltpu.sync_copy(zer_hbm, acc_s.at[pl.ds(s * RPT, RPT), :])
    plsc.subcore_barrier()

    pltpu.async_copy(idx_hbm.at[wid, 0], idx_v.at[0], isem.at[0])
    pltpu.async_copy(idx_hbm.at[wid, 1], idx_v.at[1], isem.at[1])
    pltpu.make_async_copy(idx_hbm.at[wid, 0], idx_v.at[0], isem.at[0]).wait()
    pltpu.async_copy(g_hbm.at[idx_v.at[0, 0]], rows_v.at[0], sem.at[0])

    def body(j, carry):
        p = lax.rem(j, 2)
        r = lax.rem(j, 3)
        r2 = lax.rem(j + 2, 3)

        @pl.when(j + 2 < K)
        def _():
            pltpu.async_copy(idx_hbm.at[wid, j + 2], idx_v.at[r2],
                             isem.at[r2])

        pltpu.make_async_copy(g_hbm.at[idx_v.at[r, 0]], rows_v.at[p],
                              sem.at[p]).wait()

        @pl.when(j + 1 < K)
        def _():
            q = lax.rem(j + 1, 2)
            r1 = lax.rem(j + 1, 3)
            pltpu.make_async_copy(idx_hbm.at[wid, j + 1], idx_v.at[r1],
                                  isem.at[r1]).wait()
            pltpu.async_copy(g_hbm.at[idx_v.at[r1, 0]], rows_v.at[q],
                             sem.at[q])

        pltpu.sync_copy(rows_v.at[p], acc_s.at[idx_v.at[r, 1]], add=True)
        return carry

    lax.fori_loop(0, K, body, 0)
    plsc.subcore_barrier()
    pltpu.sync_copy(acc_s.at[pl.ds(s * RPT, RPT), :],
                    out_hbm.at[c, pl.ds(s * RPT, RPT), :])


def _mm1_body(x_ref, w_ref, deg_ref, g_ref):
    dis = lax.rsqrt(deg_ref[0] + deg_ref[1] + 1.0)
    g_ref[...] = jnp.dot(x_ref[...], w_ref[...],
                         preferred_element_type=jnp.float32) * dis


def _mid_body(p_ref, g1_ref, deg_ref, b_ref, w_ref, g2_ref):
    dis = lax.rsqrt(deg_ref[0] + deg_ref[1] + 1.0)
    acc = p_ref[0] + p_ref[1] + g1_ref[...]
    y = jnp.maximum(acc * dis + b_ref[...], 0.0)
    g2_ref[...] = jnp.dot(y, w_ref[...],
                          preferred_element_type=jnp.float32) * dis


def _out_body(p_ref, g2_ref, deg_ref, b_ref, o_ref):
    dis = lax.rsqrt(deg_ref[0] + deg_ref[1] + 1.0)
    acc = p_ref[0] + p_ref[1] + g2_ref[...]
    o_ref[...] = acc * dis + b_ref[...]


_mm1 = pl.pallas_call(
    _mm1_body, out_shape=jax.ShapeDtypeStruct((NP, D), jnp.float32))
_mid = pl.pallas_call(
    _mid_body, out_shape=jax.ShapeDtypeStruct((NP, D), jnp.float32))
_out = pl.pallas_call(
    _out_body, out_shape=jax.ShapeDtypeStruct((NP, D), jnp.float32))


def kernel(x, edge_index, W1, b1, W2, b2):
    ei = edge_index.astype(jnp.int32)
    pad = jnp.full((EPAD - E,), N, dtype=jnp.int32)
    src = jnp.concatenate([ei[0], pad]).reshape(NW, K, 1, 128)
    dst = jnp.concatenate([ei[1], pad]).reshape(NW, K, 1, 128)
    idx = jnp.concatenate([src, dst], axis=2)

    ones128 = jnp.ones((128,), jnp.float32)
    zer_row = jnp.zeros((RPT,), jnp.float32)
    zer_2d = jnp.zeros((RPT, D), jnp.float32)

    degp = _deg_kernel(dst.reshape(NW, K, 128), ones128, zer_row)
    deg = degp[:, :NP, None]

    x_pad = jnp.concatenate([x, jnp.zeros((NP - N, D), x.dtype)])
    g1 = _mm1(x_pad, W1, deg)

    p1 = _agg_kernel(g1, idx, zer_2d)[:, :NP, :]
    g2 = _mid(p1, g1, deg, b1.reshape(1, D), W2)

    p2 = _agg_kernel(g2, idx, zer_2d)[:, :NP, :]
    out = _out(p2, g2, deg, b2.reshape(1, D))
    return out[:N]

# --- scband reference (transcript-rebuilt; emitter-appended) ---
"""Pipeline reference for scband-dynamic-gcn-3453153706624 (READ-ONLY COPY).

The authoritative reference and input builder live on the scoring server;
editing this copy changes nothing except your own understanding.
"""

import jax, jax.numpy as jnp
import numpy as np

N_NODES = 10000
N_EDGES = 320000
D = 128


def gcn_conv(x, edge_index, W, b):
    num_nodes = x.shape[0]
    src = edge_index[0]
    dst = edge_index[1]
    # add self loops (PyG GCNConv default add_self_loops=True)
    loop = jnp.arange(num_nodes, dtype=edge_index.dtype)
    src = jnp.concatenate([src, loop])
    dst = jnp.concatenate([dst, loop])
    ew = jnp.ones(src.shape[0], dtype=x.dtype)
    # symmetric normalization D^{-1/2} (A+I) D^{-1/2}
    deg = jnp.zeros((num_nodes,), dtype=x.dtype).at[dst].add(ew)
    deg_inv_sqrt = jnp.where(deg > 0, jax.lax.rsqrt(jnp.maximum(deg, 1e-12)), 0.0)
    norm = deg_inv_sqrt[src] * deg_inv_sqrt[dst] * ew
    # linear transform then propagate (gather -> scale -> scatter-add)
    h = x @ W
    msg = h[src] * norm[:, None]
    out = jnp.zeros((num_nodes, W.shape[1]), dtype=h.dtype).at[dst].add(msg)
    return out + b


def setup_inputs(seed: int = 0) -> dict:
    key = jax.random.key(seed)
    k1, k2, k3, k4, k5 = jax.random.split(key, 5)
    x = jax.random.normal(k1, (N_NODES, D), dtype=jnp.float32)
    edge_index = jax.random.randint(k2, (2, N_EDGES), 0, N_NODES, dtype=jnp.int64)
    s = 1.0 / np.sqrt(D)
    W1 = jax.random.uniform(k3, (D, D), dtype=jnp.float32, minval=-s, maxval=s)
    b1 = jnp.zeros((D,), dtype=jnp.float32)
    W2 = jax.random.uniform(k4, (D, D), dtype=jnp.float32, minval=-s, maxval=s)
    b2 = jnp.zeros((D,), dtype=jnp.float32)
    return {"x": x, "edge_index": edge_index, "W1": W1, "b1": b1, "W2": W2, "b2": b2}


def reference(x, edge_index, W1, b1, W2, b2):
    # DynamicGCN forward: in_dim matches, so self.match is skipped.
    h = gcn_conv(x, edge_index, W1, b1)
    h = jax.nn.relu(h)  # relu between layers (i < num_layers - 1)
    out = gcn_conv(h, edge_index, W2, b2)
    return out

if __name__ == "__main__":
    import jax
    _d = setup_inputs()
    print(jax.jit(kernel)(*tuple(_d.values())))

</pallas_src>

<mosaic_0001>
#map = affine_map<(d0, d1) -> (0, 0)>
#map1 = affine_map<(d0, d1) -> (0, 0, 0, 0)>
#map2 = affine_map<(d0, d1) -> (0, 0, 0)>
module attributes {stable_mosaic.version = 14 : i64} {
  func.func @_agg_kernel(%arg0: i32, %arg1: i32, %arg2: memref<10016x128xf32, #tpu.memory_space<hbm>>, %arg3: memref<32x79x2x128xi32, #tpu.memory_space<hbm>>, %arg4: memref<640x128xf32, #tpu.memory_space<hbm>>, %arg5: memref<2x10240x128xf32, #tpu.memory_space<hbm>>, %arg6: memref<3x2x128xi32, #tpu.memory_space<vmem>>, %arg7: memref<2x128x128xf32, #tpu.memory_space<vmem>>, %arg8: memref<10240x128xf32, #tpu.memory_space<vmem_shared>>, %arg9: memref<3x!tpu.dma_semaphore, #tpu.memory_space<semaphore_mem>>, %arg10: memref<2x!tpu.dma_semaphore, #tpu.memory_space<semaphore_mem>>) attributes {dimension_semantics = [#tpu.dimension_semantics<core_parallel>, #tpu.dimension_semantics<subcore_parallel>], iteration_bounds = array<i64: 2, 16>, scalar_prefetch = 0 : i64, scratch_operands = 5 : i64, tpu.core_type = #tpu.core_type<sc_vector_subcore>, window_params = [{transform_indices = #map}, {transform_indices = #map1}, {transform_indices = #map}, {transform_indices = #map2}]} {
    %mul3A = arith.constant 2 : i32
    %mul3A_0 = arith.muli %arg1, %mul3A : i32
    %add3A = arith.addi %mul3A_0, %arg0 : i32
    %mul3A_1 = arith.constant 640 : i32
    %mul3A_2 = arith.muli %arg1, %mul3A_1 : i32
    "tpu.region"() ({
      %run_scoped3A = tpu.sem_alloc : memref<!tpu.dma_semaphore, #tpu.memory_space<semaphore_mem>>
      %dma_start3A_90 = arith.constant 0 : i32
      %dma_start3A_91 = tpu.memref_slice %arg8[%mul3A_2, %dma_start3A_90] : memref<10240x128xf32, #tpu.memory_space<vmem_shared>> -> memref<640x128xf32, #tpu.memory_space<vmem_shared>>
      tpu.enqueue_dma source(%arg4 : memref<640x128xf32, #tpu.memory_space<hbm>>) target(%dma_start3A_91 : memref<640x128xf32, #tpu.memory_space<vmem_shared>>) target_semaphore(%run_scoped3A : memref<!tpu.dma_semaphore, #tpu.memory_space<semaphore_mem>>)
      %dma_wait3A_92 = arith.constant 0 : i32
      %dma_wait3A_93 = tpu.memref_slice %arg8[%mul3A_2, %dma_wait3A_92] : memref<10240x128xf32, #tpu.memory_space<vmem_shared>> -> memref<640x128xf32, #tpu.memory_space<vmem_shared>>
      tpu.wait_dma2 semaphore(%run_scoped3A : memref<!tpu.dma_semaphore, #tpu.memory_space<semaphore_mem>>) src(%arg4 : memref<640x128xf32, #tpu.memory_space<hbm>>) dst(%dma_wait3A_93 : memref<640x128xf32, #tpu.memory_space<vmem_shared>>)
      tpu.yield
    }) : () -> ()
    %barrier3A = arith.constant 0 : index
    tpu.barrier barrier_id(%barrier3A)
    %dma_start3A = arith.constant 0 : i32
    %dma_start3A_3 = arith.constant 0 : i32
    %dma_start3A_4 = arith.constant 0 : i32
    %dma_start3A_5 = arith.constant 0 : i32
    %dma_start3A_6 = arith.constant 0 : i32
    %dma_start3A_7 = tpu.memref_slice %arg6[%dma_start3A_3, %dma_start3A_5, %dma_start3A_6] : memref<3x2x128xi32, #tpu.memory_space<vmem>> -> memref<1x2x128xi32, #tpu.memory_space<vmem>>
    %dma_start3A_8 = tpu.memref_squeeze %dma_start3A_7 : memref<1x2x128xi32, #tpu.memory_space<vmem>> -> memref<2x128xi32, #tpu.memory_space<vmem>>
    %dma_start3A_9 = arith.constant 0 : i32
    %dma_start3A_10 = arith.constant 0 : i32
    %dma_start3A_11 = tpu.memref_slice %arg3[%add3A, %dma_start3A, %dma_start3A_9, %dma_start3A_10] : memref<32x79x2x128xi32, #tpu.memory_space<hbm>> -> memref<1x1x2x128xi32, #tpu.memory_space<hbm>>
    %dma_start3A_12 = tpu.memref_squeeze %dma_start3A_11 : memref<1x1x2x128xi32, #tpu.memory_space<hbm>> -> memref<2x128xi32, #tpu.memory_space<hbm>>
    %dma_start3A_13 = tpu.memref_slice %arg9[%dma_start3A_4] : memref<3x!tpu.dma_semaphore, #tpu.memory_space<semaphore_mem>> -> memref<1x!tpu.dma_semaphore, #tpu.memory_space<semaphore_mem>>
    %dma_start3A_14 = tpu.memref_squeeze %dma_start3A_13 : memref<1x!tpu.dma_semaphore, #tpu.memory_space<semaphore_mem>> -> memref<!tpu.dma_semaphore, #tpu.memory_space<semaphore_mem>>
    %dma_start3A_15 = arith.constant 0 : i32
    %dma_start3A_16 = arith.constant 0 : i32
    %dma_start3A_17 = tpu.memref_slice %arg6[%dma_start3A_3, %dma_start3A_15, %dma_start3A_16] : memref<3x2x128xi32, #tpu.memory_space<vmem>> -> memref<1x2x128xi32, #tpu.memory_space<vmem>>
    %dma_start3A_18 = tpu.memref_squeeze %dma_start3A_17 : memref<1x2x128xi32, #tpu.memory_space<vmem>> -> memref<2x128xi32, #tpu.memory_space<vmem>>
    %dma_start3A_19 = arith.constant 0 : i32
    %dma_start3A_20 = arith.constant 0 : i32
    %dma_start3A_21 = tpu.memref_slice %arg3[%add3A, %dma_start3A, %dma_start3A_19, %dma_start3A_20] : memref<32x79x2x128xi32, #tpu.memory_space<hbm>> -> memref<1x1x2x128xi32, #tpu.memory_space<hbm>>
    %dma_start3A_22 = tpu.memref_squeeze %dma_start3A_21 : memref<1x1x2x128xi32, #tpu.memory_space<hbm>> -> memref<2x128xi32, #tpu.memory_space<hbm>>
    tpu.enqueue_dma source(%dma_start3A_22 : memref<2x128xi32, #tpu.memory_space<hbm>>) target(%dma_start3A_18 : memref<2x128xi32, #tpu.memory_space<vmem>>) target_semaphore(%dma_start3A_14 : memref<!tpu.dma_semaphore, #tpu.memory_space<semaphore_mem>>)
    %dma_start3A_23 = arith.constant 1 : i32
    %dma_start3A_24 = arith.constant 1 : i32
    %dma_start3A_25 = arith.constant 1 : i32
    %dma_start3A_26 = arith.constant 0 : i32
    %dma_start3A_27 = arith.constant 0 : i32
    %dma_start3A_28 = tpu.memref_slice %arg6[%dma_start3A_24, %dma_start3A_26, %dma_start3A_27] : memref<3x2x128xi32, #tpu.memory_space<vmem>> -> memref<1x2x128xi32, #tpu.memory_space<vmem>>
    %dma_start3A_29 = tpu.memref_squeeze %dma_start3A_28 : memref<1x2x128xi32, #tpu.memory_space<vmem>> -> memref<2x128xi32, #tpu.memory_space<vmem>>
    %dma_start3A_30 = arith.constant 0 : i32
    %dma_start3A_31 = arith.constant 0 : i32
    %dma_start3A_32 = tpu.memref_slice %arg3[%add3A, %dma_start3A_23, %dma_start3A_30, %dma_start3A_31] : memref<32x79x2x128xi32, #tpu.memory_space<hbm>> -> memref<1x1x2x128xi32, #tpu.memory_space<hbm>>
    %dma_start3A_33 = tpu.memref_squeeze %dma_start3A_32 : memref<1x1x2x128xi32, #tpu.memory_space<hbm>> -> memref<2x128xi32, #tpu.memory_space<hbm>>
    %dma_start3A_34 = tpu.memref_slice %arg9[%dma_start3A_25] : memref<3x!tpu.dma_semaphore, #tpu.memory_space<semaphore_mem>> -> memref<1x!tpu.dma_semaphore, #tpu.memory_space<semaphore_mem>>
    %dma_start3A_35 = tpu.memref_squeeze %dma_start3A_34 : memref<1x!tpu.dma_semaphore, #tpu.memory_space<semaphore_mem>> -> memref<!tpu.dma_semaphore, #tpu.memory_space<semaphore_mem>>
    %dma_start3A_36 = arith.constant 0 : i32
    %dma_start3A_37 = arith.constant 0 : i32
    %dma_start3A_38 = tpu.memref_slice %arg6[%dma_start3A_24, %dma_start3A_36, %dma_start3A_37] : memref<3x2x128xi32, #tpu.memory_space<vmem>> -> memref<1x2x128xi32, #tpu.memory_space<vmem>>
    %dma_start3A_39 = tpu.memref_squeeze %dma_start3A_38 : memref<1x2x128xi32, #tpu.memory_space<vmem>> -> memref<2x128xi32, #tpu.memory_space<vmem>>
    %dma_start3A_40 = arith.constant 0 : i32
    %dma_start3A_41 = arith.constant 0 : i32
    %dma_start3A_42 = tpu.memref_slice %arg3[%add3A, %dma_start3A_23, %dma_start3A_40, %dma_start3A_41] : memref<32x79x2x128xi32, #tpu.memory_space<hbm>> -> memref<1x1x2x128xi32, #tpu.memory_space<hbm>>
    %dma_start3A_43 = tpu.memref_squeeze %dma_start3A_42 : memref<1x1x2x128xi32, #tpu.memory_space<hbm>> -> memref<2x128xi32, #tpu.memory_space<hbm>>
    tpu.enqueue_dma source(%dma_start3A_43 : memref<2x128xi32, #tpu.memory_space<hbm>>) target(%dma_start3A_39 : memref<2x128xi32, #tpu.memory_space<vmem>>) target_semaphore(%dma_start3A_35 : memref<!tpu.dma_semaphore, #tpu.memory_space<semaphore_mem>>)
    %dma_wait3A = arith.constant 0 : i32
    %dma_wait3A_44 = arith.constant 0 : i32
    %dma_wait3A_45 = arith.constant 0 : i32
    %dma_wait3A_46 = arith.constant 0 : i32
    %dma_wait3A_47 = arith.constant 0 : i32
    %dma_wait3A_48 = tpu.memref_slice %arg6[%dma_wait3A_44, %dma_wait3A_46, %dma_wait3A_47] : memref<3x2x128xi32, #tpu.memory_space<vmem>> -> memref<1x2x128xi32, #tpu.memory_space<vmem>>
    %dma_wait3A_49 = tpu.memref_squeeze %dma_wait3A_48 : memref<1x2x128xi32, #tpu.memory_space<vmem>> -> memref<2x128xi32, #tpu.memory_space<vmem>>
    %dma_wait3A_50 = arith.constant 0 : i32
    %dma_wait3A_51 = arith.constant 0 : i32
    %dma_wait3A_52 = tpu.memref_slice %arg3[%add3A, %dma_wait3A, %dma_wait3A_50, %dma_wait3A_51] : memref<32x79x2x128xi32, #tpu.memory_space<hbm>> -> memref<1x1x2x128xi32, #tpu.memory_space<hbm>>
    %dma_wait3A_53 = tpu.memref_squeeze %dma_wait3A_52 : memref<1x1x2x128xi32, #tpu.memory_space<hbm>> -> memref<2x128xi32, #tpu.memory_space<hbm>>
    %dma_wait3A_54 = tpu.memref_slice %arg9[%dma_wait3A_45] : memref<3x!tpu.dma_semaphore, #tpu.memory_space<semaphore_mem>> -> memref<1x!tpu.dma_semaphore, #tpu.memory_space<semaphore_mem>>
    %dma_wait3A_55 = tpu.memref_squeeze %dma_wait3A_54 : memref<1x!tpu.dma_semaphore, #tpu.memory_space<semaphore_mem>> -> memref<!tpu.dma_semaphore, #tpu.memory_space<semaphore_mem>>
    %dma_wait3A_56 = arith.constant 0 : i32
    %dma_wait3A_57 = arith.constant 0 : i32
    %dma_wait3A_58 = tpu.memref_slice %arg6[%dma_wait3A_44, %dma_wait3A_56, %dma_wait3A_57] : memref<3x2x128xi32, #tpu.memory_space<vmem>> -> memref<1x2x128xi32, #tpu.memory_space<vmem>>
    %dma_wait3A_59 = tpu.memref_squeeze %dma_wait3A_58 : memref<1x2x128xi32, #tpu.memory_space<vmem>> -> memref<2x128xi32, #tpu.memory_space<vmem>>
    %dma_wait3A_60 = arith.constant 0 : i32
    %dma_wait3A_61 = arith.constant 0 : i32
    %dma_wait3A_62 = tpu.memref_slice %arg3[%add3A, %dma_wait3A, %dma_wait3A_60, %dma_wait3A_61] : memref<32x79x2x128xi32, #tpu.memory_space<hbm>> -> memref<1x1x2x128xi32, #tpu.memory_space<hbm>>
    %dma_wait3A_63 = tpu.memref_squeeze %dma_wait3A_62 : memref<1x1x2x128xi32, #tpu.memory_space<hbm>> -> memref<2x128xi32, #tpu.memory_space<hbm>>
    tpu.wait_dma2 semaphore(%dma_wait3A_55 : memref<!tpu.dma_semaphore, #tpu.memory_space<semaphore_mem>>) src(%dma_wait3A_63 : memref<2x128xi32, #tpu.memory_space<hbm>>) dst(%dma_wait3A_59 : memref<2x128xi32, #tpu.memory_space<vmem>>)
    %dma_start3A_64 = arith.constant 0 : i32
    %dma_start3A_65 = arith.constant 0 : i32
    %dma_start3A_66 = arith.constant 0 : i32
    %dma_start3A_67 = arith.constant 0 : i32
    %dma_start3A_68 = arith.constant 0 : i32
    %dma_start3A_69 = arith.constant 0 : i32
    %dma_start3A_70 = tpu.memref_slice %arg7[%dma_start3A_66, %dma_start3A_68, %dma_start3A_69] : memref<2x128x128xf32, #tpu.memory_space<vmem>> -> memref<1x128x128xf32, #tpu.memory_space<vmem>>
    %dma_start3A_71 = tpu.memref_squeeze %dma_start3A_70 : memref<1x128x128xf32, #tpu.memory_space<vmem>> -> memref<128x128xf32, #tpu.memory_space<vmem>>
    %dma_start3A_72 = arith.constant 0 : i32
    %dma_start3A_73 = tpu.memref_slice %arg6[%dma_start3A_64, %dma_start3A_65, %dma_start3A_72] : memref<3x2x128xi32, #tpu.memory_space<vmem>> -> memref<1x1x128xi32, #tpu.memory_space<vmem>>
    %dma_start3A_74 = tpu.memref_squeeze %dma_start3A_73 : memref<1x1x128xi32, #tpu.memory_space<vmem>> -> memref<128xi32, #tpu.memory_space<vmem>>
    %dma_start3A_75 = arith.constant 0 : i32
    %dma_start3A_76 = arith.constant 0 : i32
    %dma_start3A_77 = tpu.memref_slice %arg2[%dma_start3A_75, %dma_start3A_76] : memref<10016x128xf32, #tpu.memory_space<hbm>> -> memref<10016x128xf32, #tpu.memory_space<hbm>>
    %dma_start3A_78 = tpu.memref_slice %arg10[%dma_start3A_67] : memref<2x!tpu.dma_semaphore, #tpu.memory_space<semaphore_mem>> -> memref<1x!tpu.dma_semaphore, #tpu.memory_space<semaphore_mem>>
    %dma_start3A_79 = tpu.memref_squeeze %dma_start3A_78 : memref<1x!tpu.dma_semaphore, #tpu.memory_space<semaphore_mem>> -> memref<!tpu.dma_semaphore, #tpu.memory_space<semaphore_mem>>
    tpu.enqueue_indirect_dma source(%dma_start3A_77 : memref<10016x128xf32, #tpu.memory_space<hbm>>) target(%dma_start3A_71 : memref<128x128xf32, #tpu.memory_space<vmem>>) offsets(%dma_start3A_74 : memref<128xi32, #tpu.memory_space<vmem>>) semaphore(%dma_start3A_79 : memref<!tpu.dma_semaphore, #tpu.memory_space<semaphore_mem>>)
    %scan3A = arith.constant 0 : i32
    %scan3A_80 = arith.constant 0 : i32
    %scan3A_81 = arith.constant 79 : i32
    %scan3A_82 = arith.addi %scan3A_80, %scan3A_81 : i32
    %scan3A_83 = arith.constant 1 : i32
    scf.for %scan3A_90 = %scan3A_80 to %scan3A_82 step %scan3A_83  : i32 {
      %rem3A = arith.constant 2 : i32
      %rem3A_91 = arith.remsi %scan3A_90, %rem3A : i32
      %rem3A_92 = arith.constant 3 : i32
      %rem3A_93 = arith.remsi %scan3A_90, %rem3A_92 : i32
      %add3A_94 = arith.constant 2 : i32
      %add3A_95 = arith.addi %scan3A_90, %add3A_94 : i32
      %rem3A_96 = arith.constant 3 : i32
      %rem3A_97 = arith.remsi %add3A_95, %rem3A_96 : i32
      %add3A_98 = arith.constant 2 : i32
      %add3A_99 = arith.addi %scan3A_90, %add3A_98 : i32
      %lt3A = arith.constant 79 : i32
      %lt3A_100 = arith.cmpi slt, %add3A_99, %lt3A : i32
      %convert_element_type3A = arith.extui %lt3A_100 : i1 to i32
      %cond3A = arith.constant 0 : i32
      %cond3A_101 = arith.cmpi ne, %convert_element_type3A, %cond3A : i32
      scf.if %cond3A_101 {
        %add3A_122 = arith.constant 2 : i32
        %add3A_123 = arith.addi %scan3A_90, %add3A_122 : i32
        %dma_start3A_124 = arith.constant 0 : i32
        %dma_start3A_125 = arith.constant 0 : i32
        %dma_start3A_126 = tpu.memref_slice %arg6[%rem3A_97, %dma_start3A_124, %dma_start3A_125] : memref<3x2x128xi32, #tpu.memory_space<vmem>> -> memref<1x2x128xi32, #tpu.memory_space<vmem>>
        %dma_start3A_127 = tpu.memref_squeeze %dma_start3A_126 : memref<1x2x128xi32, #tpu.memory_space<vmem>> -> memref<2x128xi32, #tpu.memory_space<vmem>>
        %dma_start3A_128 = arith.constant 0 : i32
        %dma_start3A_129 = arith.constant 0 : i32
        %dma_start3A_130 = tpu.memref_slice %arg3[%add3A, %add3A_123, %dma_start3A_128, %dma_start3A_129] : memref<32x79x2x128xi32, #tpu.memory_space<hbm>> -> memref<1x1x2x128xi32, #tpu.memory_space<hbm>>
        %dma_start3A_131 = tpu.memref_squeeze %dma_start3A_130 : memref<1x1x2x128xi32, #tpu.memory_space<hbm>> -> memref<2x128xi32, #tpu.memory_space<hbm>>
        %dma_start3A_132 = tpu.memref_slice %arg9[%rem3A_97] : memref<3x!tpu.dma_semaphore, #tpu.memory_space<semaphore_mem>> -> memref<1x!tpu.dma_semaphore, #tpu.memory_space<semaphore_mem>>
        %dma_start3A_133 = tpu.memref_squeeze %dma_start3A_132 : memref<1x!tpu.dma_semaphore, #tpu.memory_space<semaphore_mem>> -> memref<!tpu.dma_semaphore, #tpu.memory_space<semaphore_mem>>
        %dma_start3A_134 = arith.constant 0 : i32
        %dma_start3A_135 = arith.constant 0 : i32
        %dma_start3A_136 = tpu.memref_slice %arg6[%rem3A_97, %dma_start3A_134, %dma_start3A_135] : memref<3x2x128xi32, #tpu.memory_space<vmem>> -> memref<1x2x128xi32, #tpu.memory_space<vmem>>
        %dma_start3A_137 = tpu.memref_squeeze %dma_start3A_136 : memref<1x2x128xi32, #tpu.memory_space<vmem>> -> memref<2x128xi32, #tpu.memory_space<vmem>>
        %dma_start3A_138 = arith.constant 0 : i32
        %dma_start3A_139 = arith.constant 0 : i32
        %dma_start3A_140 = tpu.memref_slice %arg3[%add3A, %add3A_123, %dma_start3A_138, %dma_start3A_139] : memref<32x79x2x128xi32, #tpu.memory_space<hbm>> -> memref<1x1x2x128xi32, #tpu.memory_space<hbm>>
        %dma_start3A_141 = tpu.memref_squeeze %dma_start3A_140 : memref<1x1x2x128xi32, #tpu.memory_space<hbm>> -> memref<2x128xi32, #tpu.memory_space<hbm>>
        tpu.enqueue_dma source(%dma_start3A_141 : memref<2x128xi32, #tpu.memory_space<hbm>>) target(%dma_start3A_137 : memref<2x128xi32, #tpu.memory_space<vmem>>) target_semaphore(%dma_start3A_133 : memref<!tpu.dma_semaphore, #tpu.memory_space<semaphore_mem>>)
      } else {
      }
      %dma_wait3A_102 = arith.constant 0 : i32
      %dma_wait3A_103 = arith.constant 0 : i32
      %dma_wait3A_104 = arith.constant 0 : i32
      %dma_wait3A_105 = tpu.memref_slice %arg7[%rem3A_91, %dma_wait3A_103, %dma_wait3A_104] : memref<2x128x128xf32, #tpu.memory_space<vmem>> -> memref<1x128x128xf32, #tpu.memory_space<vmem>>
      %dma_wait3A_106 = tpu.memref_squeeze %dma_wait3A_105 : memref<1x128x128xf32, #tpu.memory_space<vmem>> -> memref<128x128xf32, #tpu.memory_space<vmem>>
      %dma_wait3A_107 = arith.constant 0 : i32
      %dma_wait3A_108 = tpu.memref_slice %arg6[%rem3A_93, %dma_wait3A_102, %dma_wait3A_107] : memref<3x2x128xi32, #tpu.memory_space<vmem>> -> memref<1x1x128xi32, #tpu.memory_space<vmem>>
      %dma_wait3A_109 = tpu.memref_squeeze %dma_wait3A_108 : memref<1x1x128xi32, #tpu.memory_space<vmem>> -> memref<128xi32, #tpu.memory_space<vmem>>
      %dma_wait3A_110 = arith.constant 0 : i32
      %dma_wait3A_111 = arith.constant 0 : i32
      %dma_wait3A_112 = tpu.memref_slice %arg2[%dma_wait3A_110, %dma_wait3A_111] : memref<10016x128xf32, #tpu.memory_space<hbm>> -> memref<10016x128xf32, #tpu.memory_space<hbm>>
      %dma_wait3A_113 = tpu.memref_slice %arg10[%rem3A_91] : memref<2x!tpu.dma_semaphore, #tpu.memory_space<semaphore_mem>> -> memref<1x!tpu.dma_semaphore, #tpu.memory_space<semaphore_mem>>
      %dma_wait3A_114 = tpu.memref_squeeze %dma_wait3A_113 : memref<1x!tpu.dma_semaphore, #tpu.memory_space<semaphore_mem>> -> memref<!tpu.dma_semaphore, #tpu.memory_space<semaphore_mem>>
      tpu.wait_indirect_dma semaphore(%dma_wait3A_114 : memref<!tpu.dma_semaphore, #tpu.memory_space<semaphore_mem>>) src(%dma_wait3A_112 : memref<10016x128xf32, #tpu.memory_space<hbm>>) dst(%dma_wait3A_106 : memref<128x128xf32, #tpu.memory_space<vmem>>)
      %add3A_115 = arith.constant 1 : i32
      %add3A_116 = arith.addi %scan3A_90, %add3A_115 : i32
      %lt3A_117 = arith.constant 79 : i32
      %lt3A_118 = arith.cmpi slt, %add3A_116, %lt3A_117 : i32
      %convert_element_type3A_119 = arith.extui %lt3A_118 : i1 to i32
      %cond3A_120 = arith.constant 0 : i32
      %cond3A_121 = arith.cmpi ne, %convert_element_type3A_119, %cond3A_120 : i32
      scf.if %cond3A_121 {
        %add3A_122 = arith.constant 1 : i32
        %add3A_123 = arith.addi %scan3A_90, %add3A_122 : i32
        %rem3A_124 = arith.constant 2 : i32
        %rem3A_125 = arith.remsi %add3A_123, %rem3A_124 : i32
        %add3A_126 = arith.constant 1 : i32
        %add3A_127 = arith.addi %scan3A_90, %add3A_126 : i32
        %rem3A_128 = arith.constant 3 : i32
        %rem3A_129 = arith.remsi %add3A_127, %rem3A_128 : i32
        %add3A_130 = arith.constant 1 : i32
        %add3A_131 = arith.addi %scan3A_90, %add3A_130 : i32
        %dma_wait3A_132 = arith.constant 0 : i32
        %dma_wait3A_133 = arith.constant 0 : i32
        %dma_wait3A_134 = tpu.memref_slice %arg6[%rem3A_129, %dma_wait3A_132, %dma_wait3A_133] : memref<3x2x128xi32, #tpu.memory_space<vmem>> -> memref<1x2x128xi32, #tpu.memory_space<vmem>>
        %dma_wait3A_135 = tpu.memref_squeeze %dma_wait3A_134 : memref<1x2x128xi32, #tpu.memory_space<vmem>> -> memref<2x128xi32, #tpu.memory_space<vmem>>
        %dma_wait3A_136 = arith.constant 0 : i32
        %dma_wait3A_137 = arith.constant 0 : i32
        %dma_wait3A_138 = tpu.memref_slice %arg3[%add3A, %add3A_131, %dma_wait3A_136, %dma_wait3A_137] : memref<32x79x2x128xi32, #tpu.memory_space<hbm>> -> memref<1x1x2x128xi32, #tpu.memory_space<hbm>>
        %dma_wait3A_139 = tpu.memref_squeeze %dma_wait3A_138 : memref<1x1x2x128xi32, #tpu.memory_space<hbm>> -> memref<2x128xi32, #tpu.memory_space<hbm>>
        %dma_wait3A_140 = tpu.memref_slice %arg9[%rem3A_129] : memref<3x!tpu.dma_semaphore, #tpu.memory_space<semaphore_mem>> -> memref<1x!tpu.dma_semaphore, #tpu.memory_space<semaphore_mem>>
        %dma_wait3A_141 = tpu.memref_squeeze %dma_wait3A_140 : memref<1x!tpu.dma_semaphore, #tpu.memory_space<semaphore_mem>> -> memref<!tpu.dma_semaphore, #tpu.memory_space<semaphore_mem>>
        %dma_wait3A_142 = arith.constant 0 : i32
        %dma_wait3A_143 = arith.constant 0 : i32
        %dma_wait3A_144 = tpu.memref_slice %arg6[%rem3A_129, %dma_wait3A_142, %dma_wait3A_143] : memref<3x2x128xi32, #tpu.memory_space<vmem>> -> memref<1x2x128xi32, #tpu.memory_space<vmem>>
        %dma_wait3A_145 = tpu.memref_squeeze %dma_wait3A_144 : memref<1x2x128xi32, #tpu.memory_space<vmem>> -> memref<2x128xi32, #tpu.memory_space<vmem>>
        %dma_wait3A_146 = arith.constant 0 : i32
        %dma_wait3A_147 = arith.constant 0 : i32
        %dma_wait3A_148 = tpu.memref_slice %arg3[%add3A, %add3A_131, %dma_wait3A_146, %dma_wait3A_147] : memref<32x79x2x128xi32, #tpu.memory_space<hbm>> -> memref<1x1x2x128xi32, #tpu.memory_space<hbm>>
        %dma_wait3A_149 = tpu.memref_squeeze %dma_wait3A_148 : memref<1x1x2x128xi32, #tpu.memory_space<hbm>> -> memref<2x128xi32, #tpu.memory_space<hbm>>
        tpu.wait_dma2 semaphore(%dma_wait3A_141 : memref<!tpu.dma_semaphore, #tpu.memory_space<semaphore_mem>>) src(%dma_wait3A_149 : memref<2x128xi32, #tpu.memory_space<hbm>>) dst(%dma_wait3A_145 : memref<2x128xi32, #tpu.memory_space<vmem>>)
        %dma_start3A_150 = arith.constant 0 : i32
        %dma_start3A_151 = arith.constant 0 : i32
        %dma_start3A_152 = arith.constant 0 : i32
        %dma_start3A_153 = tpu.memref_slice %arg7[%rem3A_125, %dma_start3A_151, %dma_start3A_152] : memref<2x128x128xf32, #tpu.memory_space<vmem>> -> memref<1x128x128xf32, #tpu.memory_space<vmem>>
        %dma_start3A_154 = tpu.memref_squeeze %dma_start3A_153 : memref<1x128x128xf32, #tpu.memory_space<vmem>> -> memref<128x128xf32, #tpu.memory_space<vmem>>
        %dma_start3A_155 = arith.constant 0 : i32
        %dma_start3A_156 = tpu.memref_slice %arg6[%rem3A_129, %dma_start3A_150, %dma_start3A_155] : memref<3x2x128xi32, #tpu.memory_space<vmem>> -> memref<1x1x128xi32, #tpu.memory_space<vmem>>
        %dma_start3A_157 = tpu.memref_squeeze %dma_start3A_156 : memref<1x1x128xi32, #tpu.memory_space<vmem>> -> memref<128xi32, #tpu.memory_space<vmem>>
        %dma_start3A_158 = arith.constant 0 : i32
        %dma_start3A_159 = arith.constant 0 : i32
        %dma_start3A_160 = tpu.memref_slice %arg2[%dma_start3A_158, %dma_start3A_159] : memref<10016x128xf32, #tpu.memory_space<hbm>> -> memref<10016x128xf32, #tpu.memory_space<hbm>>
        %dma_start3A_161 = tpu.memref_slice %arg10[%rem3A_125] : memref<2x!tpu.dma_semaphore, #tpu.memory_space<semaphore_mem>> -> memref<1x!tpu.dma_semaphore, #tpu.memory_space<semaphore_mem>>
        %dma_start3A_162 = tpu.memref_squeeze %dma_start3A_161 : memref<1x!tpu.dma_semaphore, #tpu.memory_space<semaphore_mem>> -> memref<!tpu.dma_semaphore, #tpu.memory_space<semaphore_mem>>
        tpu.enqueue_indirect_dma source(%dma_start3A_160 : memref<10016x128xf32, #tpu.memory_space<hbm>>) target(%dma_start3A_154 : memref<128x128xf32, #tpu.memory_space<vmem>>) offsets(%dma_start3A_157 : memref<128xi32, #tpu.memory_space<vmem>>) semaphore(%dma_start3A_162 : memref<!tpu.dma_semaphore, #tpu.memory_space<semaphore_mem>>)
      } else {
      }
      %run_scoped3A = arith.constant 1 : i32
      "tpu.region"() ({
        %run_scoped3A_122 = tpu.sem_alloc : memref<!tpu.dma_semaphore, #tpu.memory_space<semaphore_mem>>
        %dma_start3A_123 = arith.constant 0 : i32
        %dma_start3A_124 = arith.constant 0 : i32
        %dma_start3A_125 = tpu.memref_slice %arg7[%rem3A_91, %dma_start3A_123, %dma_start3A_124] : memref<2x128x128xf32, #tpu.memory_space<vmem>> -> memref<1x128x128xf32, #tpu.memory_space<vmem>>
        %dma_start3A_126 = tpu.memref_squeeze %dma_start3A_125 : memref<1x128x128xf32, #tpu.memory_space<vmem>> -> memref<128x128xf32, #tpu.memory_space<vmem>>
        %dma_start3A_127 = arith.constant 0 : i32
        %dma_start3A_128 = tpu.memref_slice %arg6[%rem3A_93, %run_scoped3A, %dma_start3A_127] : memref<3x2x128xi32, #tpu.memory_space<vmem>> -> memref<1x1x128xi32, #tpu.memory_space<vmem>>
        %dma_start3A_129 = tpu.memref_squeeze %dma_start3A_128 : memref<1x1x128xi32, #tpu.memory_space<vmem>> -> memref<128xi32, #tpu.memory_space<vmem>>
        %dma_start3A_130 = arith.constant 0 : i32
        %dma_start3A_131 = arith.constant 0 : i32
        %dma_start3A_132 = tpu.memref_slice %arg8[%dma_start3A_130, %dma_start3A_131] : memref<10240x128xf32, #tpu.memory_space<vmem_shared>> -> memref<10240x128xf32, #tpu.memory_space<vmem_shared>>
        tpu.enqueue_indirect_dma source(%dma_start3A_126 : memref<128x128xf32, #tpu.memory_space<vmem>>) target(%dma_start3A_132 : memref<10240x128xf32, #tpu.memory_space<vmem_shared>>) offsets(%dma_start3A_129 : memref<128xi32, #tpu.memory_space<vmem>>) semaphore(%run_scoped3A_122 : memref<!tpu.dma_semaphore, #tpu.memory_space<semaphore_mem>>) {add = true}
        %dma_wait3A_133 = arith.constant 0 : i32
        %dma_wait3A_134 = arith.constant 0 : i32
        %dma_wait3A_135 = tpu.memref_slice %arg7[%rem3A_91, %dma_wait3A_133, %dma_wait3A_134] : memref<2x128x128xf32, #tpu.memory_space<vmem>> -> memref<1x128x128xf32, #tpu.memory_space<vmem>>
        %dma_wait3A_136 = tpu.memref_squeeze %dma_wait3A_135 : memref<1x128x128xf32, #tpu.memory_space<vmem>> -> memref<128x128xf32, #tpu.memory_space<vmem>>
        %dma_wait3A_137 = arith.constant 0 : i32
        %dma_wait3A_138 = tpu.memref_slice %arg6[%rem3A_93, %run_scoped3A, %dma_wait3A_137] : memref<3x2x128xi32, #tpu.memory_space<vmem>> -> memref<1x1x128xi32, #tpu.memory_space<vmem>>
        %dma_wait3A_139 = tpu.memref_squeeze %dma_wait3A_138 : memref<1x1x128xi32, #tpu.memory_space<vmem>> -> memref<128xi32, #tpu.memory_space<vmem>>
        %dma_wait3A_140 = arith.constant 0 : i32
        %dma_wait3A_141 = arith.constant 0 : i32
        %dma_wait3A_142 = tpu.memref_slice %arg8[%dma_wait3A_140, %dma_wait3A_141] : memref<10240x128xf32, #tpu.memory_space<vmem_shared>> -> memref<10240x128xf32, #tpu.memory_space<vmem_shared>>
        tpu.wait_indirect_dma semaphore(%run_scoped3A_122 : memref<!tpu.dma_semaphore, #tpu.memory_space<semaphore_mem>>) src(%dma_wait3A_136 : memref<128x128xf32, #tpu.memory_space<vmem>>) dst(%dma_wait3A_142 : memref<10240x128xf32, #tpu.memory_space<vmem_shared>>)
        tpu.yield
      }) : () -> ()
    }
    %scan3A_84 = arith.constant 79 : i32
    %barrier3A_85 = arith.constant 0 : index
    tpu.barrier barrier_id(%barrier3A_85)
    %mul3A_86 = arith.constant 640 : i32
    %mul3A_87 = arith.muli %arg1, %mul3A_86 : i32
    %mul3A_88 = arith.constant 640 : i32
    %mul3A_89 = arith.muli %arg1, %mul3A_88 : i32
    "tpu.region"() ({
      %run_scoped3A = tpu.sem_alloc : memref<!tpu.dma_semaphore, #tpu.memory_space<semaphore_mem>>
      %dma_start3A_90 = arith.constant 0 : i32
      %dma_start3A_91 = tpu.memref_slice %arg5[%arg0, %mul3A_89, %dma_start3A_90] : memref<2x10240x128xf32, #tpu.memory_space<hbm>> -> memref<1x640x128xf32, #tpu.memory_space<hbm>>
      %dma_start3A_92 = tpu.memref_squeeze %dma_start3A_91 : memref<1x640x128xf32, #tpu.memory_space<hbm>> -> memref<640x128xf32, #tpu.memory_space<hbm>>
      %dma_start3A_93 = arith.constant 0 : i32
      %dma_start3A_94 = tpu.memref_slice %arg8[%mul3A_87, %dma_start3A_93] : memref<10240x128xf32, #tpu.memory_space<vmem_shared>> -> memref<640x128xf32, #tpu.memory_space<vmem_shared>>
      tpu.enqueue_dma source(%dma_start3A_94 : memref<640x128xf32, #tpu.memory_space<vmem_shared>>) target(%dma_start3A_92 : memref<640x128xf32, #tpu.memory_space<hbm>>) target_semaphore(%run_scoped3A : memref<!tpu.dma_semaphore, #tpu.memory_space<semaphore_mem>>)
      %dma_wait3A_95 = arith.constant 0 : i32
      %dma_wait3A_96 = tpu.memref_slice %arg5[%arg0, %mul3A_89, %dma_wait3A_95] : memref<2x10240x128xf32, #tpu.memory_space<hbm>> -> memref<1x640x128xf32, #tpu.memory_space<hbm>>
      %dma_wait3A_97 = tpu.memref_squeeze %dma_wait3A_96 : memref<1x640x128xf32, #tpu.memory_space<hbm>> -> memref<640x128xf32, #tpu.memory_space<hbm>>
      %dma_wait3A_98 = arith.constant 0 : i32
      %dma_wait3A_99 = tpu.memref_slice %arg8[%mul3A_87, %dma_wait3A_98] : memref<10240x128xf32, #tpu.memory_space<vmem_shared>> -> memref<640x128xf32, #tpu.memory_space<vmem_shared>>
      tpu.wait_dma2 semaphore(%run_scoped3A : memref<!tpu.dma_semaphore, #tpu.memory_space<semaphore_mem>>) src(%dma_wait3A_99 : memref<640x128xf32, #tpu.memory_space<vmem_shared>>) dst(%dma_wait3A_97 : memref<640x128xf32, #tpu.memory_space<hbm>>)
      tpu.yield
    }) : () -> ()
    return
  }
}

#map = affine_map<(d0, d1) -> (0, 0, 0)>
#map1 = affine_map<(d0, d1) -> (0)>
#map2 = affine_map<(d0, d1) -> (0, 0)>
module attributes {stable_mosaic.version = 14 : i64} {
  func.func @_deg_kernel(%arg0: i32, %arg1: i32, %arg2: memref<32x79x128xi32, #tpu.memory_space<hbm>>, %arg3: memref<128xf32, #tpu.memory_space<hbm>>, %arg4: memref<640xf32, #tpu.memory_space<hbm>>, %arg5: memref<2x10240xf32, #tpu.memory_space<hbm>>, %arg6: memref<79x128xi32, #tpu.memory_space<vmem>>, %arg7: memref<128xf32, #tpu.memory_space<vmem>>, %arg8: memref<640xf32, #tpu.memory_space<vmem>>, %arg9: memref<10240xf32, #tpu.memory_space<vmem_shared>>) attributes {dimension_semantics = [#tpu.dimension_semantics<core_parallel>, #tpu.dimension_semantics<subcore_parallel>], iteration_bounds = array<i64: 2, 16>, scalar_prefetch = 0 : i64, scratch_operands = 4 : i64, tpu.core_type = #tpu.core_type<sc_vector_subcore>, window_params = [{transform_indices = #map}, {transform_indices = #map1}, {transform_indices = #map1}, {transform_indices = #map2}]} {
    %mul3A = arith.constant 2 : i32
    %mul3A_0 = arith.muli %arg1, %mul3A : i32
    %add3A = arith.addi %mul3A_0, %arg0 : i32
    "tpu.region"() ({
      %run_scoped3A = tpu.sem_alloc : memref<!tpu.dma_semaphore, #tpu.memory_space<semaphore_mem>>
      tpu.enqueue_dma source(%arg3 : memref<128xf32, #tpu.memory_space<hbm>>) target(%arg7 : memref<128xf32, #tpu.memory_space<vmem>>) target_semaphore(%run_scoped3A : memref<!tpu.dma_semaphore, #tpu.memory_space<semaphore_mem>>)
      tpu.wait_dma2 semaphore(%run_scoped3A : memref<!tpu.dma_semaphore, #tpu.memory_space<semaphore_mem>>) src(%arg3 : memref<128xf32, #tpu.memory_space<hbm>>) dst(%arg7 : memref<128xf32, #tpu.memory_space<vmem>>)
      tpu.yield
    }) : () -> ()
    "tpu.region"() ({
      %run_scoped3A = tpu.sem_alloc : memref<!tpu.dma_semaphore, #tpu.memory_space<semaphore_mem>>
      tpu.enqueue_dma source(%arg4 : memref<640xf32, #tpu.memory_space<hbm>>) target(%arg8 : memref<640xf32, #tpu.memory_space<vmem>>) target_semaphore(%run_scoped3A : memref<!tpu.dma_semaphore, #tpu.memory_space<semaphore_mem>>)
      tpu.wait_dma2 semaphore(%run_scoped3A : memref<!tpu.dma_semaphore, #tpu.memory_space<semaphore_mem>>) src(%arg4 : memref<640xf32, #tpu.memory_space<hbm>>) dst(%arg8 : memref<640xf32, #tpu.memory_space<vmem>>)
      tpu.yield
    }) : () -> ()
    %mul3A_1 = arith.constant 640 : i32
    %mul3A_2 = arith.muli %arg1, %mul3A_1 : i32
    "tpu.region"() ({
      %run_scoped3A = tpu.sem_alloc : memref<!tpu.dma_semaphore, #tpu.memory_space<semaphore_mem>>
      %dma_start3A = tpu.memref_slice %arg9[%mul3A_2] : memref<10240xf32, #tpu.memory_space<vmem_shared>> -> memref<640xf32, #tpu.memory_space<vmem_shared>>
      %dma_start3A_13 = tpu.memref_slice %arg9[%mul3A_2] : memref<10240xf32, #tpu.memory_space<vmem_shared>> -> memref<640xf32, #tpu.memory_space<vmem_shared>>
      tpu.enqueue_dma source(%arg8 : memref<640xf32, #tpu.memory_space<vmem>>) target(%dma_start3A_13 : memref<640xf32, #tpu.memory_space<vmem_shared>>) target_semaphore(%run_scoped3A : memref<!tpu.dma_semaphore, #tpu.memory_space<semaphore_mem>>)
      %dma_wait3A = tpu.memref_slice %arg9[%mul3A_2] : memref<10240xf32, #tpu.memory_space<vmem_shared>> -> memref<640xf32, #tpu.memory_space<vmem_shared>>
      %dma_wait3A_14 = tpu.memref_slice %arg9[%mul3A_2] : memref<10240xf32, #tpu.memory_space<vmem_shared>> -> memref<640xf32, #tpu.memory_space<vmem_shared>>
      tpu.wait_dma2 semaphore(%run_scoped3A : memref<!tpu.dma_semaphore, #tpu.memory_space<semaphore_mem>>) src(%arg8 : memref<640xf32, #tpu.memory_space<vmem>>) dst(%dma_wait3A_14 : memref<640xf32, #tpu.memory_space<vmem_shared>>)
      tpu.yield
    }) : () -> ()
    %barrier3A = arith.constant 0 : index
    tpu.barrier barrier_id(%barrier3A)
    "tpu.region"() ({
      %run_scoped3A = tpu.sem_alloc : memref<!tpu.dma_semaphore, #tpu.memory_space<semaphore_mem>>
      %dma_start3A = arith.constant 0 : i32
      %dma_start3A_13 = arith.constant 0 : i32
      %dma_start3A_14 = tpu.memref_slice %arg2[%add3A, %dma_start3A, %dma_start3A_13] : memref<32x79x128xi32, #tpu.memory_space<hbm>> -> memref<1x79x128xi32, #tpu.memory_space<hbm>>
      %dma_start3A_15 = tpu.memref_squeeze %dma_start3A_14 : memref<1x79x128xi32, #tpu.memory_space<hbm>> -> memref<79x128xi32, #tpu.memory_space<hbm>>
      %dma_start3A_16 = arith.constant 0 : i32
      %dma_start3A_17 = arith.constant 0 : i32
      %dma_start3A_18 = tpu.memref_slice %arg2[%add3A, %dma_start3A_16, %dma_start3A_17] : memref<32x79x128xi32, #tpu.memory_space<hbm>> -> memref<1x79x128xi32, #tpu.memory_space<hbm>>
      %dma_start3A_19 = tpu.memref_squeeze %dma_start3A_18 : memref<1x79x128xi32, #tpu.memory_space<hbm>> -> memref<79x128xi32, #tpu.memory_space<hbm>>
      tpu.enqueue_dma source(%dma_start3A_19 : memref<79x128xi32, #tpu.memory_space<hbm>>) target(%arg6 : memref<79x128xi32, #tpu.memory_space<vmem>>) target_semaphore(%run_scoped3A : memref<!tpu.dma_semaphore, #tpu.memory_space<semaphore_mem>>)
      %dma_wait3A = arith.constant 0 : i32
      %dma_wait3A_20 = arith.constant 0 : i32
      %dma_wait3A_21 = tpu.memref_slice %arg2[%add3A, %dma_wait3A, %dma_wait3A_20] : memref<32x79x128xi32, #tpu.memory_space<hbm>> -> memref<1x79x128xi32, #tpu.memory_space<hbm>>
      %dma_wait3A_22 = tpu.memref_squeeze %dma_wait3A_21 : memref<1x79x128xi32, #tpu.memory_space<hbm>> -> memref<79x128xi32, #tpu.memory_space<hbm>>
      %dma_wait3A_23 = arith.constant 0 : i32
      %dma_wait3A_24 = arith.constant 0 : i32
      %dma_wait3A_25 = tpu.memref_slice %arg2[%add3A, %dma_wait3A_23, %dma_wait3A_24] : memref<32x79x128xi32, #tpu.memory_space<hbm>> -> memref<1x79x128xi32, #tpu.memory_space<hbm>>
      %dma_wait3A_26 = tpu.memref_squeeze %dma_wait3A_25 : memref<1x79x128xi32, #tpu.memory_space<hbm>> -> memref<79x128xi32, #tpu.memory_space<hbm>>
      tpu.wait_dma2 semaphore(%run_scoped3A : memref<!tpu.dma_semaphore, #tpu.memory_space<semaphore_mem>>) src(%dma_wait3A_26 : memref<79x128xi32, #tpu.memory_space<hbm>>) dst(%arg6 : memref<79x128xi32, #tpu.memory_space<vmem>>)
      tpu.yield
    }) : () -> ()
    %scan3A = arith.constant 0 : i32
    %scan3A_3 = arith.constant 0 : i32
    %scan3A_4 = arith.constant 79 : i32
    %scan3A_5 = arith.addi %scan3A_3, %scan3A_4 : i32
    %scan3A_6 = arith.constant 1 : i32
    scf.for %scan3A_13 = %scan3A_3 to %scan3A_5 step %scan3A_6  : i32 {
      "tpu.region"() ({
        %run_scoped3A = tpu.sem_alloc : memref<!tpu.dma_semaphore, #tpu.memory_space<semaphore_mem>>
        %dma_start3A = arith.constant 0 : i32
        %dma_start3A_14 = tpu.memref_slice %arg6[%scan3A_13, %dma_start3A] : memref<79x128xi32, #tpu.memory_space<vmem>> -> memref<1x128xi32, #tpu.memory_space<vmem>>
        %dma_start3A_15 = tpu.memref_squeeze %dma_start3A_14 : memref<1x128xi32, #tpu.memory_space<vmem>> -> memref<128xi32, #tpu.memory_space<vmem>>
        %dma_start3A_16 = arith.constant 0 : i32
        %dma_start3A_17 = tpu.memref_slice %arg9[%dma_start3A_16] : memref<10240xf32, #tpu.memory_space<vmem_shared>> -> memref<10240xf32, #tpu.memory_space<vmem_shared>>
        tpu.enqueue_indirect_dma source(%arg7 : memref<128xf32, #tpu.memory_space<vmem>>) target(%dma_start3A_17 : memref<10240xf32, #tpu.memory_space<vmem_shared>>) offsets(%dma_start3A_15 : memref<128xi32, #tpu.memory_space<vmem>>) semaphore(%run_scoped3A : memref<!tpu.dma_semaphore, #tpu.memory_space<semaphore_mem>>) {add = true}
        %dma_wait3A = arith.constant 0 : i32
        %dma_wait3A_18 = tpu.memref_slice %arg6[%scan3A_13, %dma_wait3A] : memref<79x128xi32, #tpu.memory_space<vmem>> -> memref<1x128xi32, #tpu.memory_space<vmem>>
        %dma_wait3A_19 = tpu.memref_squeeze %dma_wait3A_18 : memref<1x128xi32, #tpu.memory_space<vmem>> -> memref<128xi32, #tpu.memory_space<vmem>>
        %dma_wait3A_20 = arith.constant 0 : i32
        %dma_wait3A_21 = tpu.memref_slice %arg9[%dma_wait3A_20] : memref<10240xf32, #tpu.memory_space<vmem_shared>> -> memref<10240xf32, #tpu.memory_space<vmem_shared>>
        tpu.wait_indirect_dma semaphore(%run_scoped3A : memref<!tpu.dma_semaphore, #tpu.memory_space<semaphore_mem>>) src(%arg7 : memref<128xf32, #tpu.memory_space<vmem>>) dst(%dma_wait3A_21 : memref<10240xf32, #tpu.memory_space<vmem_shared>>)
        tpu.yield
      }) : () -> ()
    }
    %scan3A_7 = arith.constant 79 : i32
    %barrier3A_8 = arith.constant 0 : index
    tpu.barrier barrier_id(%barrier3A_8)
    %mul3A_9 = arith.constant 640 : i32
    %mul3A_10 = arith.muli %arg1, %mul3A_9 : i32
    %mul3A_11 = arith.constant 640 : i32
    %mul3A_12 = arith.muli %arg1, %mul3A_11 : i32
    "tpu.region"() ({
      %run_scoped3A = tpu.sem_alloc : memref<!tpu.dma_semaphore, #tpu.memory_space<semaphore_mem>>
      %dma_start3A = tpu.memref_slice %arg5[%arg0, %mul3A_12] : memref<2x10240xf32, #tpu.memory_space<hbm>> -> memref<1x640xf32, #tpu.memory_space<hbm>>
      %dma_start3A_13 = tpu.memref_squeeze %dma_start3A : memref<1x640xf32, #tpu.memory_space<hbm>> -> memref<640xf32, #tpu.memory_space<hbm>>
      %dma_start3A_14 = tpu.memref_slice %arg9[%mul3A_10] : memref<10240xf32, #tpu.memory_space<vmem_shared>> -> memref<640xf32, #tpu.memory_space<vmem_shared>>
      tpu.enqueue_dma source(%dma_start3A_14 : memref<640xf32, #tpu.memory_space<vmem_shared>>) target(%dma_start3A_13 : memref<640xf32, #tpu.memory_space<hbm>>) target_semaphore(%run_scoped3A : memref<!tpu.dma_semaphore, #tpu.memory_space<semaphore_mem>>)
      %dma_wait3A = tpu.memref_slice %arg5[%arg0, %mul3A_12] : memref<2x10240xf32, #tpu.memory_space<hbm>> -> memref<1x640xf32, #tpu.memory_space<hbm>>
      %dma_wait3A_15 = tpu.memref_squeeze %dma_wait3A : memref<1x640xf32, #tpu.memory_space<hbm>> -> memref<640xf32, #tpu.memory_space<hbm>>
      %dma_wait3A_16 = tpu.memref_slice %arg9[%mul3A_10] : memref<10240xf32, #tpu.memory_space<vmem_shared>> -> memref<640xf32, #tpu.memory_space<vmem_shared>>
      tpu.wait_dma2 semaphore(%run_scoped3A : memref<!tpu.dma_semaphore, #tpu.memory_space<semaphore_mem>>) src(%dma_wait3A_16 : memref<640xf32, #tpu.memory_space<vmem_shared>>) dst(%dma_wait3A_15 : memref<640xf32, #tpu.memory_space<hbm>>)
      tpu.yield
    }) : () -> ()
    return
  }
}

#map = affine_map<(d0, d1) -> (0, 0)>
#map1 = affine_map<(d0, d1) -> (0, 0, 0, 0)>
#map2 = affine_map<(d0, d1) -> (0, 0, 0)>
module attributes {stable_mosaic.version = 14 : i64} {
  func.func @_agg_kernel(%arg0: i32, %arg1: i32, %arg2: memref<10016x128xf32, #tpu.memory_space<hbm>>, %arg3: memref<32x79x2x128xi32, #tpu.memory_space<hbm>>, %arg4: memref<640x128xf32, #tpu.memory_space<hbm>>, %arg5: memref<2x10240x128xf32, #tpu.memory_space<hbm>>, %arg6: memref<3x2x128xi32, #tpu.memory_space<vmem>>, %arg7: memref<2x128x128xf32, #tpu.memory_space<vmem>>, %arg8: memref<10240x128xf32, #tpu.memory_space<vmem_shared>>, %arg9: memref<3x!tpu.dma_semaphore, #tpu.memory_space<semaphore_mem>>, %arg10: memref<2x!tpu.dma_semaphore, #tpu.memory_space<semaphore_mem>>) attributes {dimension_semantics = [#tpu.dimension_semantics<core_parallel>, #tpu.dimension_semantics<subcore_parallel>], iteration_bounds = array<i64: 2, 16>, scalar_prefetch = 0 : i64, scratch_operands = 5 : i64, tpu.core_type = #tpu.core_type<sc_vector_subcore>, window_params = [{transform_indices = #map}, {transform_indices = #map1}, {transform_indices = #map}, {transform_indices = #map2}]} {
    %mul3A = arith.constant 2 : i32
    %mul3A_0 = arith.muli %arg1, %mul3A : i32
    %add3A = arith.addi %mul3A_0, %arg0 : i32
    %mul3A_1 = arith.constant 640 : i32
    %mul3A_2 = arith.muli %arg1, %mul3A_1 : i32
    "tpu.region"() ({
      %run_scoped3A = tpu.sem_alloc : memref<!tpu.dma_semaphore, #tpu.memory_space<semaphore_mem>>
      %dma_start3A_90 = arith.constant 0 : i32
      %dma_start3A_91 = tpu.memref_slice %arg8[%mul3A_2, %dma_start3A_90] : memref<10240x128xf32, #tpu.memory_space<vmem_shared>> -> memref<640x128xf32, #tpu.memory_space<vmem_shared>>
      tpu.enqueue_dma source(%arg4 : memref<640x128xf32, #tpu.memory_space<hbm>>) target(%dma_start3A_91 : memref<640x128xf32, #tpu.memory_space<vmem_shared>>) target_semaphore(%run_scoped3A : memref<!tpu.dma_semaphore, #tpu.memory_space<semaphore_mem>>)
      %dma_wait3A_92 = arith.constant 0 : i32
      %dma_wait3A_93 = tpu.memref_slice %arg8[%mul3A_2, %dma_wait3A_92] : memref<10240x128xf32, #tpu.memory_space<vmem_shared>> -> memref<640x128xf32, #tpu.memory_space<vmem_shared>>
      tpu.wait_dma2 semaphore(%run_scoped3A : memref<!tpu.dma_semaphore, #tpu.memory_space<semaphore_mem>>) src(%arg4 : memref<640x128xf32, #tpu.memory_space<hbm>>) dst(%dma_wait3A_93 : memref<640x128xf32, #tpu.memory_space<vmem_shared>>)
      tpu.yield
    }) : () -> ()
    %barrier3A = arith.constant 0 : index
    tpu.barrier barrier_id(%barrier3A)
    %dma_start3A = arith.constant 0 : i32
    %dma_start3A_3 = arith.constant 0 : i32
    %dma_start3A_4 = arith.constant 0 : i32
    %dma_start3A_5 = arith.constant 0 : i32
    %dma_start3A_6 = arith.constant 0 : i32
    %dma_start3A_7 = tpu.memref_slice %arg6[%dma_start3A_3, %dma_start3A_5, %dma_start3A_6] : memref<3x2x128xi32, #tpu.memory_space<vmem>> -> memref<1x2x128xi32, #tpu.memory_space<vmem>>
    %dma_start3A_8 = tpu.memref_squeeze %dma_start3A_7 : memref<1x2x128xi32, #tpu.memory_space<vmem>> -> memref<2x128xi32, #tpu.memory_space<vmem>>
    %dma_start3A_9 = arith.constant 0 : i32
    %dma_start3A_10 = arith.constant 0 : i32
    %dma_start3A_11 = tpu.memref_slice %arg3[%add3A, %dma_start3A, %dma_start3A_9, %dma_start3A_10] : memref<32x79x2x128xi32, #tpu.memory_space<hbm>> -> memref<1x1x2x128xi32, #tpu.memory_space<hbm>>
    %dma_start3A_12 = tpu.memref_squeeze %dma_start3A_11 : memref<1x1x2x128xi32, #tpu.memory_space<hbm>> -> memref<2x128xi32, #tpu.memory_space<hbm>>
    %dma_start3A_13 = tpu.memref_slice %arg9[%dma_start3A_4] : memref<3x!tpu.dma_semaphore, #tpu.memory_space<semaphore_mem>> -> memref<1x!tpu.dma_semaphore, #tpu.memory_space<semaphore_mem>>
    %dma_start3A_14 = tpu.memref_squeeze %dma_start3A_13 : memref<1x!tpu.dma_semaphore, #tpu.memory_space<semaphore_mem>> -> memref<!tpu.dma_semaphore, #tpu.memory_space<semaphore_mem>>
    %dma_start3A_15 = arith.constant 0 : i32
    %dma_start3A_16 = arith.constant 0 : i32
    %dma_start3A_17 = tpu.memref_slice %arg6[%dma_start3A_3, %dma_start3A_15, %dma_start3A_16] : memref<3x2x128xi32, #tpu.memory_space<vmem>> -> memref<1x2x128xi32, #tpu.memory_space<vmem>>
    %dma_start3A_18 = tpu.memref_squeeze %dma_start3A_17 : memref<1x2x128xi32, #tpu.memory_space<vmem>> -> memref<2x128xi32, #tpu.memory_space<vmem>>
    %dma_start3A_19 = arith.constant 0 : i32
    %dma_start3A_20 = arith.constant 0 : i32
    %dma_start3A_21 = tpu.memref_slice %arg3[%add3A, %dma_start3A, %dma_start3A_19, %dma_start3A_20] : memref<32x79x2x128xi32, #tpu.memory_space<hbm>> -> memref<1x1x2x128xi32, #tpu.memory_space<hbm>>
    %dma_start3A_22 = tpu.memref_squeeze %dma_start3A_21 : memref<1x1x2x128xi32, #tpu.memory_space<hbm>> -> memref<2x128xi32, #tpu.memory_space<hbm>>
    tpu.enqueue_dma source(%dma_start3A_22 : memref<2x128xi32, #tpu.memory_space<hbm>>) target(%dma_start3A_18 : memref<2x128xi32, #tpu.memory_space<vmem>>) target_semaphore(%dma_start3A_14 : memref<!tpu.dma_semaphore, #tpu.memory_space<semaphore_mem>>)
    %dma_start3A_23 = arith.constant 1 : i32
    %dma_start3A_24 = arith.constant 1 : i32
    %dma_start3A_25 = arith.constant 1 : i32
    %dma_start3A_26 = arith.constant 0 : i32
    %dma_start3A_27 = arith.constant 0 : i32
    %dma_start3A_28 = tpu.memref_slice %arg6[%dma_start3A_24, %dma_start3A_26, %dma_start3A_27] : memref<3x2x128xi32, #tpu.memory_space<vmem>> -> memref<1x2x128xi32, #tpu.memory_space<vmem>>
    %dma_start3A_29 = tpu.memref_squeeze %dma_start3A_28 : memref<1x2x128xi32, #tpu.memory_space<vmem>> -> memref<2x128xi32, #tpu.memory_space<vmem>>
    %dma_start3A_30 = arith.constant 0 : i32
    %dma_start3A_31 = arith.constant 0 : i32
    %dma_start3A_32 = tpu.memref_slice %arg3[%add3A, %dma_start3A_23, %dma_start3A_30, %dma_start3A_31] : memref<32x79x2x128xi32, #tpu.memory_space<hbm>> -> memref<1x1x2x128xi32, #tpu.memory_space<hbm>>
    %dma_start3A_33 = tpu.memref_squeeze %dma_start3A_32 : memref<1x1x2x128xi32, #tpu.memory_space<hbm>> -> memref<2x128xi32, #tpu.memory_space<hbm>>
    %dma_start3A_34 = tpu.memref_slice %arg9[%dma_start3A_25] : memref<3x!tpu.dma_semaphore, #tpu.memory_space<semaphore_mem>> -> memref<1x!tpu.dma_semaphore, #tpu.memory_space<semaphore_mem>>
    %dma_start3A_35 = tpu.memref_squeeze %dma_start3A_34 : memref<1x!tpu.dma_semaphore, #tpu.memory_space<semaphore_mem>> -> memref<!tpu.dma_semaphore, #tpu.memory_space<semaphore_mem>>
    %dma_start3A_36 = arith.constant 0 : i32
    %dma_start3A_37 = arith.constant 0 : i32
    %dma_start3A_38 = tpu.memref_slice %arg6[%dma_start3A_24, %dma_start3A_36, %dma_start3A_37] : memref<3x2x128xi32, #tpu.memory_space<vmem>> -> memref<1x2x128xi32, #tpu.memory_space<vmem>>
    %dma_start3A_39 = tpu.memref_squeeze %dma_start3A_38 : memref<1x2x128xi32, #tpu.memory_space<vmem>> -> memref<2x128xi32, #tpu.memory_space<vmem>>
    %dma_start3A_40 = arith.constant 0 : i32
    %dma_start3A_41 = arith.constant 0 : i32
    %dma_start3A_42 = tpu.memref_slice %arg3[%add3A, %dma_start3A_23, %dma_start3A_40, %dma_start3A_41] : memref<32x79x2x128xi32, #tpu.memory_space<hbm>> -> memref<1x1x2x128xi32, #tpu.memory_space<hbm>>
    %dma_start3A_43 = tpu.memref_squeeze %dma_start3A_42 : memref<1x1x2x128xi32, #tpu.memory_space<hbm>> -> memref<2x128xi32, #tpu.memory_space<hbm>>
    tpu.enqueue_dma source(%dma_start3A_43 : memref<2x128xi32, #tpu.memory_space<hbm>>) target(%dma_start3A_39 : memref<2x128xi32, #tpu.memory_space<vmem>>) target_semaphore(%dma_start3A_35 : memref<!tpu.dma_semaphore, #tpu.memory_space<semaphore_mem>>)
    %dma_wait3A = arith.constant 0 : i32
    %dma_wait3A_44 = arith.constant 0 : i32
    %dma_wait3A_45 = arith.constant 0 : i32
    %dma_wait3A_46 = arith.constant 0 : i32
    %dma_wait3A_47 = arith.constant 0 : i32
    %dma_wait3A_48 = tpu.memref_slice %arg6[%dma_wait3A_44, %dma_wait3A_46, %dma_wait3A_47] : memref<3x2x128xi32, #tpu.memory_space<vmem>> -> memref<1x2x128xi32, #tpu.memory_space<vmem>>
    %dma_wait3A_49 = tpu.memref_squeeze %dma_wait3A_48 : memref<1x2x128xi32, #tpu.memory_space<vmem>> -> memref<2x128xi32, #tpu.memory_space<vmem>>
    %dma_wait3A_50 = arith.constant 0 : i32
    %dma_wait3A_51 = arith.constant 0 : i32
    %dma_wait3A_52 = tpu.memref_slice %arg3[%add3A, %dma_wait3A, %dma_wait3A_50, %dma_wait3A_51] : memref<32x79x2x128xi32, #tpu.memory_space<hbm>> -> memref<1x1x2x128xi32, #tpu.memory_space<hbm>>
    %dma_wait3A_53 = tpu.memref_squeeze %dma_wait3A_52 : memref<1x1x2x128xi32, #tpu.memory_space<hbm>> -> memref<2x128xi32, #tpu.memory_space<hbm>>
    %dma_wait3A_54 = tpu.memref_slice %arg9[%dma_wait3A_45] : memref<3x!tpu.dma_semaphore, #tpu.memory_space<semaphore_mem>> -> memref<1x!tpu.dma_semaphore, #tpu.memory_space<semaphore_mem>>
    %dma_wait3A_55 = tpu.memref_squeeze %dma_wait3A_54 : memref<1x!tpu.dma_semaphore, #tpu.memory_space<semaphore_mem>> -> memref<!tpu.dma_semaphore, #tpu.memory_space<semaphore_mem>>
    %dma_wait3A_56 = arith.constant 0 : i32
    %dma_wait3A_57 = arith.constant 0 : i32
    %dma_wait3A_58 = tpu.memref_slice %arg6[%dma_wait3A_44, %dma_wait3A_56, %dma_wait3A_57] : memref<3x2x128xi32, #tpu.memory_space<vmem>> -> memref<1x2x128xi32, #tpu.memory_space<vmem>>
    %dma_wait3A_59 = tpu.memref_squeeze %dma_wait3A_58 : memref<1x2x128xi32, #tpu.memory_space<vmem>> -> memref<2x128xi32, #tpu.memory_space<vmem>>
    %dma_wait3A_60 = arith.constant 0 : i32
    %dma_wait3A_61 = arith.constant 0 : i32
    %dma_wait3A_62 = tpu.memref_slice %arg3[%add3A, %dma_wait3A, %dma_wait3A_60, %dma_wait3A_61] : memref<32x79x2x128xi32, #tpu.memory_space<hbm>> -> memref<1x1x2x128xi32, #tpu.memory_space<hbm>>
    %dma_wait3A_63 = tpu.memref_squeeze %dma_wait3A_62 : memref<1x1x2x128xi32, #tpu.memory_space<hbm>> -> memref<2x128xi32, #tpu.memory_space<hbm>>
    tpu.wait_dma2 semaphore(%dma_wait3A_55 : memref<!tpu.dma_semaphore, #tpu.memory_space<semaphore_mem>>) src(%dma_wait3A_63 : memref<2x128xi32, #tpu.memory_space<hbm>>) dst(%dma_wait3A_59 : memref<2x128xi32, #tpu.memory_space<vmem>>)
    %dma_start3A_64 = arith.constant 0 : i32
    %dma_start3A_65 = arith.constant 0 : i32
    %dma_start3A_66 = arith.constant 0 : i32
    %dma_start3A_67 = arith.constant 0 : i32
    %dma_start3A_68 = arith.constant 0 : i32
    %dma_start3A_69 = arith.constant 0 : i32
    %dma_start3A_70 = tpu.memref_slice %arg7[%dma_start3A_66, %dma_start3A_68, %dma_start3A_69] : memref<2x128x128xf32, #tpu.memory_space<vmem>> -> memref<1x128x128xf32, #tpu.memory_space<vmem>>
    %dma_start3A_71 = tpu.memref_squeeze %dma_start3A_70 : memref<1x128x128xf32, #tpu.memory_space<vmem>> -> memref<128x128xf32, #tpu.memory_space<vmem>>
    %dma_start3A_72 = arith.constant 0 : i32
    %dma_start3A_73 = tpu.memref_slice %arg6[%dma_start3A_64, %dma_start3A_65, %dma_start3A_72] : memref<3x2x128xi32, #tpu.memory_space<vmem>> -> memref<1x1x128xi32, #tpu.memory_space<vmem>>
    %dma_start3A_74 = tpu.memref_squeeze %dma_start3A_73 : memref<1x1x128xi32, #tpu.memory_space<vmem>> -> memref<128xi32, #tpu.memory_space<vmem>>
    %dma_start3A_75 = arith.constant 0 : i32
    %dma_start3A_76 = arith.constant 0 : i32
    %dma_start3A_77 = tpu.memref_slice %arg2[%dma_start3A_75, %dma_start3A_76] : memref<10016x128xf32, #tpu.memory_space<hbm>> -> memref<10016x128xf32, #tpu.memory_space<hbm>>
    %dma_start3A_78 = tpu.memref_slice %arg10[%dma_start3A_67] : memref<2x!tpu.dma_semaphore, #tpu.memory_space<semaphore_mem>> -> memref<1x!tpu.dma_semaphore, #tpu.memory_space<semaphore_mem>>
    %dma_start3A_79 = tpu.memref_squeeze %dma_start3A_78 : memref<1x!tpu.dma_semaphore, #tpu.memory_space<semaphore_mem>> -> memref<!tpu.dma_semaphore, #tpu.memory_space<semaphore_mem>>
    tpu.enqueue_indirect_dma source(%dma_start3A_77 : memref<10016x128xf32, #tpu.memory_space<hbm>>) target(%dma_start3A_71 : memref<128x128xf32, #tpu.memory_space<vmem>>) offsets(%dma_start3A_74 : memref<128xi32, #tpu.memory_space<vmem>>) semaphore(%dma_start3A_79 : memref<!tpu.dma_semaphore, #tpu.memory_space<semaphore_mem>>)
    %scan3A = arith.constant 0 : i32
    %scan3A_80 = arith.constant 0 : i32
    %scan3A_81 = arith.constant 79 : i32
    %scan3A_82 = arith.addi %scan3A_80, %scan3A_81 : i32
    %scan3A_83 = arith.constant 1 : i32
    scf.for %scan3A_90 = %scan3A_80 to %scan3A_82 step %scan3A_83  : i32 {
      %rem3A = arith.constant 2 : i32
      %rem3A_91 = arith.remsi %scan3A_90, %rem3A : i32
      %rem3A_92 = arith.constant 3 : i32
      %rem3A_93 = arith.remsi %scan3A_90, %rem3A_92 : i32
      %add3A_94 = arith.constant 2 : i32
      %add3A_95 = arith.addi %scan3A_90, %add3A_94 : i32
      %rem3A_96 = arith.constant 3 : i32
      %rem3A_97 = arith.remsi %add3A_95, %rem3A_96 : i32
      %add3A_98 = arith.constant 2 : i32
      %add3A_99 = arith.addi %scan3A_90, %add3A_98 : i32
      %lt3A = arith.constant 79 : i32
      %lt3A_100 = arith.cmpi slt, %add3A_99, %lt3A : i32
      %convert_element_type3A = arith.extui %lt3A_100 : i1 to i32
      %cond3A = arith.constant 0 : i32
      %cond3A_101 = arith.cmpi ne, %convert_element_type3A, %cond3A : i32
      scf.if %cond3A_101 {
        %add3A_122 = arith.constant 2 : i32
        %add3A_123 = arith.addi %scan3A_90, %add3A_122 : i32
        %dma_start3A_124 = arith.constant 0 : i32
        %dma_start3A_125 = arith.constant 0 : i32
        %dma_start3A_126 = tpu.memref_slice %arg6[%rem3A_97, %dma_start3A_124, %dma_start3A_125] : memref<3x2x128xi32, #tpu.memory_space<vmem>> -> memref<1x2x128xi32, #tpu.memory_space<vmem>>
        %dma_start3A_127 = tpu.memref_squeeze %dma_start3A_126 : memref<1x2x128xi32, #tpu.memory_space<vmem>> -> memref<2x128xi32, #tpu.memory_space<vmem>>
        %dma_start3A_128 = arith.constant 0 : i32
        %dma_start3A_129 = arith.constant 0 : i32
        %dma_start3A_130 = tpu.memref_slice %arg3[%add3A, %add3A_123, %dma_start3A_128, %dma_start3A_129] : memref<32x79x2x128xi32, #tpu.memory_space<hbm>> -> memref<1x1x2x128xi32, #tpu.memory_space<hbm>>
        %dma_start3A_131 = tpu.memref_squeeze %dma_start3A_130 : memref<1x1x2x128xi32, #tpu.memory_space<hbm>> -> memref<2x128xi32, #tpu.memory_space<hbm>>
        %dma_start3A_132 = tpu.memref_slice %arg9[%rem3A_97] : memref<3x!tpu.dma_semaphore, #tpu.memory_space<semaphore_mem>> -> memref<1x!tpu.dma_semaphore, #tpu.memory_space<semaphore_mem>>
        %dma_start3A_133 = tpu.memref_squeeze %dma_start3A_132 : memref<1x!tpu.dma_semaphore, #tpu.memory_space<semaphore_mem>> -> memref<!tpu.dma_semaphore, #tpu.memory_space<semaphore_mem>>
        %dma_start3A_134 = arith.constant 0 : i32
        %dma_start3A_135 = arith.constant 0 : i32
        %dma_start3A_136 = tpu.memref_slice %arg6[%rem3A_97, %dma_start3A_134, %dma_start3A_135] : memref<3x2x128xi32, #tpu.memory_space<vmem>> -> memref<1x2x128xi32, #tpu.memory_space<vmem>>
        %dma_start3A_137 = tpu.memref_squeeze %dma_start3A_136 : memref<1x2x128xi32, #tpu.memory_space<vmem>> -> memref<2x128xi32, #tpu.memory_space<vmem>>
        %dma_start3A_138 = arith.constant 0 : i32
        %dma_start3A_139 = arith.constant 0 : i32
        %dma_start3A_140 = tpu.memref_slice %arg3[%add3A, %add3A_123, %dma_start3A_138, %dma_start3A_139] : memref<32x79x2x128xi32, #tpu.memory_space<hbm>> -> memref<1x1x2x128xi32, #tpu.memory_space<hbm>>
        %dma_start3A_141 = tpu.memref_squeeze %dma_start3A_140 : memref<1x1x2x128xi32, #tpu.memory_space<hbm>> -> memref<2x128xi32, #tpu.memory_space<hbm>>
        tpu.enqueue_dma source(%dma_start3A_141 : memref<2x128xi32, #tpu.memory_space<hbm>>) target(%dma_start3A_137 : memref<2x128xi32, #tpu.memory_space<vmem>>) target_semaphore(%dma_start3A_133 : memref<!tpu.dma_semaphore, #tpu.memory_space<semaphore_mem>>)
      } else {
      }
      %dma_wait3A_102 = arith.constant 0 : i32
      %dma_wait3A_103 = arith.constant 0 : i32
      %dma_wait3A_104 = arith.constant 0 : i32
      %dma_wait3A_105 = tpu.memref_slice %arg7[%rem3A_91, %dma_wait3A_103, %dma_wait3A_104] : memref<2x128x128xf32, #tpu.memory_space<vmem>> -> memref<1x128x128xf32, #tpu.memory_space<vmem>>
      %dma_wait3A_106 = tpu.memref_squeeze %dma_wait3A_105 : memref<1x128x128xf32, #tpu.memory_space<vmem>> -> memref<128x128xf32, #tpu.memory_space<vmem>>
      %dma_wait3A_107 = arith.constant 0 : i32
      %dma_wait3A_108 = tpu.memref_slice %arg6[%rem3A_93, %dma_wait3A_102, %dma_wait3A_107] : memref<3x2x128xi32, #tpu.memory_space<vmem>> -> memref<1x1x128xi32, #tpu.memory_space<vmem>>
      %dma_wait3A_109 = tpu.memref_squeeze %dma_wait3A_108 : memref<1x1x128xi32, #tpu.memory_space<vmem>> -> memref<128xi32, #tpu.memory_space<vmem>>
      %dma_wait3A_110 = arith.constant 0 : i32
      %dma_wait3A_111 = arith.constant 0 : i32
      %dma_wait3A_112 = tpu.memref_slice %arg2[%dma_wait3A_110, %dma_wait3A_111] : memref<10016x128xf32, #tpu.memory_space<hbm>> -> memref<10016x128xf32, #tpu.memory_space<hbm>>
      %dma_wait3A_113 = tpu.memref_slice %arg10[%rem3A_91] : memref<2x!tpu.dma_semaphore, #tpu.memory_space<semaphore_mem>> -> memref<1x!tpu.dma_semaphore, #tpu.memory_space<semaphore_mem>>
      %dma_wait3A_114 = tpu.memref_squeeze %dma_wait3A_113 : memref<1x!tpu.dma_semaphore, #tpu.memory_space<semaphore_mem>> -> memref<!tpu.dma_semaphore, #tpu.memory_space<semaphore_mem>>
      tpu.wait_indirect_dma semaphore(%dma_wait3A_114 : memref<!tpu.dma_semaphore, #tpu.memory_space<semaphore_mem>>) src(%dma_wait3A_112 : memref<10016x128xf32, #tpu.memory_space<hbm>>) dst(%dma_wait3A_106 : memref<128x128xf32, #tpu.memory_space<vmem>>)
      %add3A_115 = arith.constant 1 : i32
      %add3A_116 = arith.addi %scan3A_90, %add3A_115 : i32
      %lt3A_117 = arith.constant 79 : i32
      %lt3A_118 = arith.cmpi slt, %add3A_116, %lt3A_117 : i32
      %convert_element_type3A_119 = arith.extui %lt3A_118 : i1 to i32
      %cond3A_120 = arith.constant 0 : i32
      %cond3A_121 = arith.cmpi ne, %convert_element_type3A_119, %cond3A_120 : i32
      scf.if %cond3A_121 {
        %add3A_122 = arith.constant 1 : i32
        %add3A_123 = arith.addi %scan3A_90, %add3A_122 : i32
        %rem3A_124 = arith.constant 2 : i32
        %rem3A_125 = arith.remsi %add3A_123, %rem3A_124 : i32
        %add3A_126 = arith.constant 1 : i32
        %add3A_127 = arith.addi %scan3A_90, %add3A_126 : i32
        %rem3A_128 = arith.constant 3 : i32
        %rem3A_129 = arith.remsi %add3A_127, %rem3A_128 : i32
        %add3A_130 = arith.constant 1 : i32
        %add3A_131 = arith.addi %scan3A_90, %add3A_130 : i32
        %dma_wait3A_132 = arith.constant 0 : i32
        %dma_wait3A_133 = arith.constant 0 : i32
        %dma_wait3A_134 = tpu.memref_slice %arg6[%rem3A_129, %dma_wait3A_132, %dma_wait3A_133] : memref<3x2x128xi32, #tpu.memory_space<vmem>> -> memref<1x2x128xi32, #tpu.memory_space<vmem>>
        %dma_wait3A_135 = tpu.memref_squeeze %dma_wait3A_134 : memref<1x2x128xi32, #tpu.memory_space<vmem>> -> memref<2x128xi32, #tpu.memory_space<vmem>>
        %dma_wait3A_136 = arith.constant 0 : i32
        %dma_wait3A_137 = arith.constant 0 : i32
        %dma_wait3A_138 = tpu.memref_slice %arg3[%add3A, %add3A_131, %dma_wait3A_136, %dma_wait3A_137] : memref<32x79x2x128xi32, #tpu.memory_space<hbm>> -> memref<1x1x2x128xi32, #tpu.memory_space<hbm>>
        %dma_wait3A_139 = tpu.memref_squeeze %dma_wait3A_138 : memref<1x1x2x128xi32, #tpu.memory_space<hbm>> -> memref<2x128xi32, #tpu.memory_space<hbm>>
        %dma_wait3A_140 = tpu.memref_slice %arg9[%rem3A_129] : memref<3x!tpu.dma_semaphore, #tpu.memory_space<semaphore_mem>> -> memref<1x!tpu.dma_semaphore, #tpu.memory_space<semaphore_mem>>
        %dma_wait3A_141 = tpu.memref_squeeze %dma_wait3A_140 : memref<1x!tpu.dma_semaphore, #tpu.memory_space<semaphore_mem>> -> memref<!tpu.dma_semaphore, #tpu.memory_space<semaphore_mem>>
        %dma_wait3A_142 = arith.constant 0 : i32
        %dma_wait3A_143 = arith.constant 0 : i32
        %dma_wait3A_144 = tpu.memref_slice %arg6[%rem3A_129, %dma_wait3A_142, %dma_wait3A_143] : memref<3x2x128xi32, #tpu.memory_space<vmem>> -> memref<1x2x128xi32, #tpu.memory_space<vmem>>
        %dma_wait3A_145 = tpu.memref_squeeze %dma_wait3A_144 : memref<1x2x128xi32, #tpu.memory_space<vmem>> -> memref<2x128xi32, #tpu.memory_space<vmem>>
        %dma_wait3A_146 = arith.constant 0 : i32
        %dma_wait3A_147 = arith.constant 0 : i32
        %dma_wait3A_148 = tpu.memref_slice %arg3[%add3A, %add3A_131, %dma_wait3A_146, %dma_wait3A_147] : memref<32x79x2x128xi32, #tpu.memory_space<hbm>> -> memref<1x1x2x128xi32, #tpu.memory_space<hbm>>
        %dma_wait3A_149 = tpu.memref_squeeze %dma_wait3A_148 : memref<1x1x2x128xi32, #tpu.memory_space<hbm>> -> memref<2x128xi32, #tpu.memory_space<hbm>>
        tpu.wait_dma2 semaphore(%dma_wait3A_141 : memref<!tpu.dma_semaphore, #tpu.memory_space<semaphore_mem>>) src(%dma_wait3A_149 : memref<2x128xi32, #tpu.memory_space<hbm>>) dst(%dma_wait3A_145 : memref<2x128xi32, #tpu.memory_space<vmem>>)
        %dma_start3A_150 = arith.constant 0 : i32
        %dma_start3A_151 = arith.constant 0 : i32
        %dma_start3A_152 = arith.constant 0 : i32
        %dma_start3A_153 = tpu.memref_slice %arg7[%rem3A_125, %dma_start3A_151, %dma_start3A_152] : memref<2x128x128xf32, #tpu.memory_space<vmem>> -> memref<1x128x128xf32, #tpu.memory_space<vmem>>
        %dma_start3A_154 = tpu.memref_squeeze %dma_start3A_153 : memref<1x128x128xf32, #tpu.memory_space<vmem>> -> memref<128x128xf32, #tpu.memory_space<vmem>>
        %dma_start3A_155 = arith.constant 0 : i32
        %dma_start3A_156 = tpu.memref_slice %arg6[%rem3A_129, %dma_start3A_150, %dma_start3A_155] : memref<3x2x128xi32, #tpu.memory_space<vmem>> -> memref<1x1x128xi32, #tpu.memory_space<vmem>>
        %dma_start3A_157 = tpu.memref_squeeze %dma_start3A_156 : memref<1x1x128xi32, #tpu.memory_space<vmem>> -> memref<128xi32, #tpu.memory_space<vmem>>
        %dma_start3A_158 = arith.constant 0 : i32
        %dma_start3A_159 = arith.constant 0 : i32
        %dma_start3A_160 = tpu.memref_slice %arg2[%dma_start3A_158, %dma_start3A_159] : memref<10016x128xf32, #tpu.memory_space<hbm>> -> memref<10016x128xf32, #tpu.memory_space<hbm>>
        %dma_start3A_161 = tpu.memref_slice %arg10[%rem3A_125] : memref<2x!tpu.dma_semaphore, #tpu.memory_space<semaphore_mem>> -> memref<1x!tpu.dma_semaphore, #tpu.memory_space<semaphore_mem>>
        %dma_start3A_162 = tpu.memref_squeeze %dma_start3A_161 : memref<1x!tpu.dma_semaphore, #tpu.memory_space<semaphore_mem>> -> memref<!tpu.dma_semaphore, #tpu.memory_space<semaphore_mem>>
        tpu.enqueue_indirect_dma source(%dma_start3A_160 : memref<10016x128xf32, #tpu.memory_space<hbm>>) target(%dma_start3A_154 : memref<128x128xf32, #tpu.memory_space<vmem>>) offsets(%dma_start3A_157 : memref<128xi32, #tpu.memory_space<vmem>>) semaphore(%dma_start3A_162 : memref<!tpu.dma_semaphore, #tpu.memory_space<semaphore_mem>>)
      } else {
      }
      %run_scoped3A = arith.constant 1 : i32
      "tpu.region"() ({
        %run_scoped3A_122 = tpu.sem_alloc : memref<!tpu.dma_semaphore, #tpu.memory_space<semaphore_mem>>
        %dma_start3A_123 = arith.constant 0 : i32
        %dma_start3A_124 = arith.constant 0 : i32
        %dma_start3A_125 = tpu.memref_slice %arg7[%rem3A_91, %dma_start3A_123, %dma_start3A_124] : memref<2x128x128xf32, #tpu.memory_space<vmem>> -> memref<1x128x128xf32, #tpu.memory_space<vmem>>
        %dma_start3A_126 = tpu.memref_squeeze %dma_start3A_125 : memref<1x128x128xf32, #tpu.memory_space<vmem>> -> memref<128x128xf32, #tpu.memory_space<vmem>>
        %dma_start3A_127 = arith.constant 0 : i32
        %dma_start3A_128 = tpu.memref_slice %arg6[%rem3A_93, %run_scoped3A, %dma_start3A_127] : memref<3x2x128xi32, #tpu.memory_space<vmem>> -> memref<1x1x128xi32, #tpu.memory_space<vmem>>
        %dma_start3A_129 = tpu.memref_squeeze %dma_start3A_128 : memref<1x1x128xi32, #tpu.memory_space<vmem>> -> memref<128xi32, #tpu.memory_space<vmem>>
        %dma_start3A_130 = arith.constant 0 : i32
        %dma_start3A_131 = arith.constant 0 : i32
        %dma_start3A_132 = tpu.memref_slice %arg8[%dma_start3A_130, %dma_start3A_131] : memref<10240x128xf32, #tpu.memory_space<vmem_shared>> -> memref<10240x128xf32, #tpu.memory_space<vmem_shared>>
        tpu.enqueue_indirect_dma source(%dma_start3A_126 : memref<128x128xf32, #tpu.memory_space<vmem>>) target(%dma_start3A_132 : memref<10240x128xf32, #tpu.memory_space<vmem_shared>>) offsets(%dma_start3A_129 : memref<128xi32, #tpu.memory_space<vmem>>) semaphore(%run_scoped3A_122 : memref<!tpu.dma_semaphore, #tpu.memory_space<semaphore_mem>>) {add = true}
        %dma_wait3A_133 = arith.constant 0 : i32
        %dma_wait3A_134 = arith.constant 0 : i32
        %dma_wait3A_135 = tpu.memref_slice %arg7[%rem3A_91, %dma_wait3A_133, %dma_wait3A_134] : memref<2x128x128xf32, #tpu.memory_space<vmem>> -> memref<1x128x128xf32, #tpu.memory_space<vmem>>
        %dma_wait3A_136 = tpu.memref_squeeze %dma_wait3A_135 : memref<1x128x128xf32, #tpu.memory_space<vmem>> -> memref<128x128xf32, #tpu.memory_space<vmem>>
        %dma_wait3A_137 = arith.constant 0 : i32
        %dma_wait3A_138 = tpu.memref_slice %arg6[%rem3A_93, %run_scoped3A, %dma_wait3A_137] : memref<3x2x128xi32, #tpu.memory_space<vmem>> -> memref<1x1x128xi32, #tpu.memory_space<vmem>>
        %dma_wait3A_139 = tpu.memref_squeeze %dma_wait3A_138 : memref<1x1x128xi32, #tpu.memory_space<vmem>> -> memref<128xi32, #tpu.memory_space<vmem>>
        %dma_wait3A_140 = arith.constant 0 : i32
        %dma_wait3A_141 = arith.constant 0 : i32
        %dma_wait3A_142 = tpu.memref_slice %arg8[%dma_wait3A_140, %dma_wait3A_141] : memref<10240x128xf32, #tpu.memory_space<vmem_shared>> -> memref<10240x128xf32, #tpu.memory_space<vmem_shared>>
        tpu.wait_indirect_dma semaphore(%run_scoped3A_122 : memref<!tpu.dma_semaphore, #tpu.memory_space<semaphore_mem>>) src(%dma_wait3A_136 : memref<128x128xf32, #tpu.memory_space<vmem>>) dst(%dma_wait3A_142 : memref<10240x128xf32, #tpu.memory_space<vmem_shared>>)
        tpu.yield
      }) : () -> ()
    }
    %scan3A_84 = arith.constant 79 : i32
    %barrier3A_85 = arith.constant 0 : index
    tpu.barrier barrier_id(%barrier3A_85)
    %mul3A_86 = arith.constant 640 : i32
    %mul3A_87 = arith.muli %arg1, %mul3A_86 : i32
    %mul3A_88 = arith.constant 640 : i32
    %mul3A_89 = arith.muli %arg1, %mul3A_88 : i32
    "tpu.region"() ({
      %run_scoped3A = tpu.sem_alloc : memref<!tpu.dma_semaphore, #tpu.memory_space<semaphore_mem>>
      %dma_start3A_90 = arith.constant 0 : i32
      %dma_start3A_91 = tpu.memref_slice %arg5[%arg0, %mul3A_89, %dma_start3A_90] : memref<2x10240x128xf32, #tpu.memory_space<hbm>> -> memref<1x640x128xf32, #tpu.memory_space<hbm>>
      %dma_start3A_92 = tpu.memref_squeeze %dma_start3A_91 : memref<1x640x128xf32, #tpu.memory_space<hbm>> -> memref<640x128xf32, #tpu.memory_space<hbm>>
      %dma_start3A_93 = arith.constant 0 : i32
      %dma_start3A_94 = tpu.memref_slice %arg8[%mul3A_87, %dma_start3A_93] : memref<10240x128xf32, #tpu.memory_space<vmem_shared>> -> memref<640x128xf32, #tpu.memory_space<vmem_shared>>
      tpu.enqueue_dma source(%dma_start3A_94 : memref<640x128xf32, #tpu.memory_space<vmem_shared>>) target(%dma_start3A_92 : memref<640x128xf32, #tpu.memory_space<hbm>>) target_semaphore(%run_scoped3A : memref<!tpu.dma_semaphore, #tpu.memory_space<semaphore_mem>>)
      %dma_wait3A_95 = arith.constant 0 : i32
      %dma_wait3A_96 = tpu.memref_slice %arg5[%arg0, %mul3A_89, %dma_wait3A_95] : memref<2x10240x128xf32, #tpu.memory_space<hbm>> -> memref<1x640x128xf32, #tpu.memory_space<hbm>>
      %dma_wait3A_97 = tpu.memref_squeeze %dma_wait3A_96 : memref<1x640x128xf32, #tpu.memory_space<hbm>> -> memref<640x128xf32, #tpu.memory_space<hbm>>
      %dma_wait3A_98 = arith.constant 0 : i32
      %dma_wait3A_99 = tpu.memref_slice %arg8[%mul3A_87, %dma_wait3A_98] : memref<10240x128xf32, #tpu.memory_space<vmem_shared>> -> memref<640x128xf32, #tpu.memory_space<vmem_shared>>
      tpu.wait_dma2 semaphore(%run_scoped3A : memref<!tpu.dma_semaphore, #tpu.memory_space<semaphore_mem>>) src(%dma_wait3A_99 : memref<640x128xf32, #tpu.memory_space<vmem_shared>>) dst(%dma_wait3A_97 : memref<640x128xf32, #tpu.memory_space<hbm>>)
      tpu.yield
    }) : () -> ()
    return
  }
}

module attributes {stable_mosaic.version = 14 : i64} {
  func.func @_mm1_body(%arg0: memref<10016x128xf32, #tpu.memory_space<vmem>>, %arg1: memref<128x128xf32, #tpu.memory_space<vmem>>, %arg2: memref<2x10016x1xf32, #tpu.memory_space<vmem>>, %arg3: memref<10016x128xf32, #tpu.memory_space<vmem>>) attributes {dimension_semantics = [], scalar_prefetch = 0 : i64, scratch_operands = 0 : i64, tpu.core_type = #tpu.core_type<tc>} {
    %get3A = arith.constant 0 : index
    %get3A_0 = arith.constant 0 : index
    %get3A_1 = arith.constant 0 : index
    %get3A_2 = vector.load %arg2[%get3A, %get3A_0, %get3A_1] : memref<2x10016x1xf32, #tpu.memory_space<vmem>>, vector<1x10016x1xf32>
    %get3A_3 = vector.shape_cast %get3A_2 : vector<1x10016x1xf32> to vector<10016x1xf32>
    %get3A_4 = arith.constant 1 : index
    %get3A_5 = arith.constant 0 : index
    %get3A_6 = arith.constant 0 : index
    %get3A_7 = vector.load %arg2[%get3A_4, %get3A_5, %get3A_6] : memref<2x10016x1xf32, #tpu.memory_space<vmem>>, vector<1x10016x1xf32>
    %get3A_8 = vector.shape_cast %get3A_7 : vector<1x10016x1xf32> to vector<10016x1xf32>
    %add3A = arith.addf %get3A_3, %get3A_8 : vector<10016x1xf32>
    %add3A_9 = arith.constant 1.000000e+00 : f32
    %add3A_10 = vector.broadcast %add3A_9 : f32 to vector<10016x1xf32>
    %add3A_11 = arith.addf %add3A, %add3A_10 : vector<10016x1xf32>
    %rsqrt3A = math.rsqrt %add3A_11 : vector<10016x1xf32>
    %get3A_12 = arith.constant 0 : index
    %get3A_13 = arith.constant 0 : index
    %get3A_14 = vector.load %arg0[%get3A_12, %get3A_13] : memref<10016x128xf32, #tpu.memory_space<vmem>>, vector<10016x128xf32>
    %get3A_15 = arith.constant 0 : index
    %get3A_16 = arith.constant 0 : index
    %get3A_17 = vector.load %arg1[%get3A_15, %get3A_16] : memref<128x128xf32, #tpu.memory_space<vmem>>, vector<128x128xf32>
    %dot_general3A = arith.constant dense<0.000000e+00> : vector<10016x128xf32>
    %dot_general3A_18 = tpu.matmul %get3A_14, %get3A_17, %dot_general3A {dimension_numbers = #tpu.dot_dimension_numbers<[1], [0], [0], [1], [0, 0, 1, 1], [], []>, transpose_lhs_hint = false} : vector<10016x128xf32>, vector<128x128xf32>, vector<10016x128xf32> -> vector<10016x128xf32>
    %mul3A = vector.broadcast %rsqrt3A : vector<10016x1xf32> to vector<10016x128xf32>
    %mul3A_19 = arith.mulf %dot_general3A_18, %mul3A : vector<10016x128xf32>
    %swap3A = arith.constant 0 : index
    %swap3A_20 = arith.constant 0 : index
    %swap3A_21 = vector.load %arg3[%swap3A, %swap3A_20] : memref<10016x128xf32, #tpu.memory_space<vmem>>, vector<10016x128xf32>
    tpu.vector_store %arg3[%swap3A, %swap3A_20], %mul3A_19 {strides = array<i32>} : memref<10016x128xf32, #tpu.memory_space<vmem>>, vector<10016x128xf32>,
    return
  }
}

module attributes {stable_mosaic.version = 14 : i64} {
  func.func @_mid_body(%arg0: memref<2x10016x128xf32, #tpu.memory_space<vmem>>, %arg1: memref<10016x128xf32, #tpu.memory_space<vmem>>, %arg2: memref<2x10016x1xf32, #tpu.memory_space<vmem>>, %arg3: memref<1x128xf32, #tpu.memory_space<vmem>>, %arg4: memref<128x128xf32, #tpu.memory_space<vmem>>, %arg5: memref<10016x128xf32, #tpu.memory_space<vmem>>) attributes {dimension_semantics = [], scalar_prefetch = 0 : i64, scratch_operands = 0 : i64, tpu.core_type = #tpu.core_type<tc>} {
    %get3A = arith.constant 0 : index
    %get3A_0 = arith.constant 0 : index
    %get3A_1 = arith.constant 0 : index
    %get3A_2 = vector.load %arg2[%get3A, %get3A_0, %get3A_1] : memref<2x10016x1xf32, #tpu.memory_space<vmem>>, vector<1x10016x1xf32>
    %get3A_3 = vector.shape_cast %get3A_2 : vector<1x10016x1xf32> to vector<10016x1xf32>
    %get3A_4 = arith.constant 1 : index
    %get3A_5 = arith.constant 0 : index
    %get3A_6 = arith.constant 0 : index
    %get3A_7 = vector.load %arg2[%get3A_4, %get3A_5, %get3A_6] : memref<2x10016x1xf32, #tpu.memory_space<vmem>>, vector<1x10016x1xf32>
    %get3A_8 = vector.shape_cast %get3A_7 : vector<1x10016x1xf32> to vector<10016x1xf32>
    %add3A = arith.addf %get3A_3, %get3A_8 : vector<10016x1xf32>
    %add3A_9 = arith.constant 1.000000e+00 : f32
    %add3A_10 = vector.broadcast %add3A_9 : f32 to vector<10016x1xf32>
    %add3A_11 = arith.addf %add3A, %add3A_10 : vector<10016x1xf32>
    %rsqrt3A = math.rsqrt %add3A_11 : vector<10016x1xf32>
    %get3A_12 = arith.constant 0 : index
    %get3A_13 = arith.constant 0 : index
    %get3A_14 = arith.constant 0 : index
    %get3A_15 = vector.load %arg0[%get3A_12, %get3A_13, %get3A_14] : memref<2x10016x128xf32, #tpu.memory_space<vmem>>, vector<1x10016x128xf32>
    %get3A_16 = vector.shape_cast %get3A_15 : vector<1x10016x128xf32> to vector<10016x128xf32>
    %get3A_17 = arith.constant 1 : index
    %get3A_18 = arith.constant 0 : index
    %get3A_19 = arith.constant 0 : index
    %get3A_20 = vector.load %arg0[%get3A_17, %get3A_18, %get3A_19] : memref<2x10016x128xf32, #tpu.memory_space<vmem>>, vector<1x10016x128xf32>
    %get3A_21 = vector.shape_cast %get3A_20 : vector<1x10016x128xf32> to vector<10016x128xf32>
    %add3A_22 = arith.addf %get3A_16, %get3A_21 : vector<10016x128xf32>
    %get3A_23 = arith.constant 0 : index
    %get3A_24 = arith.constant 0 : index
    %get3A_25 = vector.load %arg1[%get3A_23, %get3A_24] : memref<10016x128xf32, #tpu.memory_space<vmem>>, vector<10016x128xf32>
    %add3A_26 = arith.addf %add3A_22, %get3A_25 : vector<10016x128xf32>
    %mul3A = vector.broadcast %rsqrt3A : vector<10016x1xf32> to vector<10016x128xf32>
    %mul3A_27 = arith.mulf %add3A_26, %mul3A : vector<10016x128xf32>
    %get3A_28 = arith.constant 0 : index
    %get3A_29 = arith.constant 0 : index
    %get3A_30 = vector.load %arg3[%get3A_28, %get3A_29] : memref<1x128xf32, #tpu.memory_space<vmem>>, vector<1x128xf32>
    %add3A_31 = vector.broadcast %get3A_30 : vector<1x128xf32> to vector<10016x128xf32>
    %add3A_32 = arith.addf %mul3A_27, %add3A_31 : vector<10016x128xf32>
    %max3A = arith.constant 0.000000e+00 : f32
    %max3A_33 = vector.broadcast %max3A : f32 to vector<10016x128xf32>
    %max3A_34 = arith.maximumf %add3A_32, %max3A_33 : vector<10016x128xf32>
    %get3A_35 = arith.constant 0 : index
    %get3A_36 = arith.constant 0 : index
    %get3A_37 = vector.load %arg4[%get3A_35, %get3A_36] : memref<128x128xf32, #tpu.memory_space<vmem>>, vector<128x128xf32>
    %dot_general3A = arith.constant dense<0.000000e+00> : vector<10016x128xf32>
    %dot_general3A_38 = tpu.matmul %max3A_34, %get3A_37, %dot_general3A {dimension_numbers = #tpu.dot_dimension_numbers<[1], [0], [0], [1], [0, 0, 1, 1], [], []>, transpose_lhs_hint = false} : vector<10016x128xf32>, vector<128x128xf32>, vector<10016x128xf32> -> vector<10016x128xf32>
    %mul3A_39 = vector.broadcast %rsqrt3A : vector<10016x1xf32> to vector<10016x128xf32>
    %mul3A_40 = arith.mulf %dot_general3A_38, %mul3A_39 : vector<10016x128xf32>
    %swap3A = arith.constant 0 : index
    %swap3A_41 = arith.constant 0 : index
    %swap3A_42 = vector.load %arg5[%swap3A, %swap3A_41] : memref<10016x128xf32, #tpu.memory_space<vmem>>, vector<10016x128xf32>
    tpu.vector_store %arg5[%swap3A, %swap3A_41], %mul3A_40 {strides = array<i32>} : memref<10016x128xf32, #tpu.memory_space<vmem>>, vector<10016x128xf32>,
    return
  }
}

module attributes {stable_mosaic.version = 14 : i64} {
  func.func @_out_body(%arg0: memref<2x10016x128xf32, #tpu.memory_space<vmem>>, %arg1: memref<10016x128xf32, #tpu.memory_space<vmem>>, %arg2: memref<2x10016x1xf32, #tpu.memory_space<vmem>>, %arg3: memref<1x128xf32, #tpu.memory_space<vmem>>, %arg4: memref<10016x128xf32, #tpu.memory_space<vmem>>) attributes {dimension_semantics = [], scalar_prefetch = 0 : i64, scratch_operands = 0 : i64, tpu.core_type = #tpu.core_type<tc>} {
    %get3A = arith.constant 0 : index
    %get3A_0 = arith.constant 0 : index
    %get3A_1 = arith.constant 0 : index
    %get3A_2 = vector.load %arg2[%get3A, %get3A_0, %get3A_1] : memref<2x10016x1xf32, #tpu.memory_space<vmem>>, vector<1x10016x1xf32>
    %get3A_3 = vector.shape_cast %get3A_2 : vector<1x10016x1xf32> to vector<10016x1xf32>
    %get3A_4 = arith.constant 1 : index
    %get3A_5 = arith.constant 0 : index
    %get3A_6 = arith.constant 0 : index
    %get3A_7 = vector.load %arg2[%get3A_4, %get3A_5, %get3A_6] : memref<2x10016x1xf32, #tpu.memory_space<vmem>>, vector<1x10016x1xf32>
    %get3A_8 = vector.shape_cast %get3A_7 : vector<1x10016x1xf32> to vector<10016x1xf32>
    %add3A = arith.addf %get3A_3, %get3A_8 : vector<10016x1xf32>
    %add3A_9 = arith.constant 1.000000e+00 : f32
    %add3A_10 = vector.broadcast %add3A_9 : f32 to vector<10016x1xf32>
    %add3A_11 = arith.addf %add3A, %add3A_10 : vector<10016x1xf32>
    %rsqrt3A = math.rsqrt %add3A_11 : vector<10016x1xf32>
    %get3A_12 = arith.constant 0 : index
    %get3A_13 = arith.constant 0 : index
    %get3A_14 = arith.constant 0 : index
    %get3A_15 = vector.load %arg0[%get3A_12, %get3A_13, %get3A_14] : memref<2x10016x128xf32, #tpu.memory_space<vmem>>, vector<1x10016x128xf32>
    %get3A_16 = vector.shape_cast %get3A_15 : vector<1x10016x128xf32> to vector<10016x128xf32>
    %get3A_17 = arith.constant 1 : index
    %get3A_18 = arith.constant 0 : index
    %get3A_19 = arith.constant 0 : index
    %get3A_20 = vector.load %arg0[%get3A_17, %get3A_18, %get3A_19] : memref<2x10016x128xf32, #tpu.memory_space<vmem>>, vector<1x10016x128xf32>
    %get3A_21 = vector.shape_cast %get3A_20 : vector<1x10016x128xf32> to vector<10016x128xf32>
    %add3A_22 = arith.addf %get3A_16, %get3A_21 : vector<10016x128xf32>
    %get3A_23 = arith.constant 0 : index
    %get3A_24 = arith.constant 0 : index
    %get3A_25 = vector.load %arg1[%get3A_23, %get3A_24] : memref<10016x128xf32, #tpu.memory_space<vmem>>, vector<10016x128xf32>
    %add3A_26 = arith.addf %add3A_22, %get3A_25 : vector<10016x128xf32>
    %mul3A = vector.broadcast %rsqrt3A : vector<10016x1xf32> to vector<10016x128xf32>
    %mul3A_27 = arith.mulf %add3A_26, %mul3A : vector<10016x128xf32>
    %get3A_28 = arith.constant 0 : index
    %get3A_29 = arith.constant 0 : index
    %get3A_30 = vector.load %arg3[%get3A_28, %get3A_29] : memref<1x128xf32, #tpu.memory_space<vmem>>, vector<1x128xf32>
    %add3A_31 = vector.broadcast %get3A_30 : vector<1x128xf32> to vector<10016x128xf32>
    %add3A_32 = arith.addf %mul3A_27, %add3A_31 : vector<10016x128xf32>
    %swap3A = arith.constant 0 : index
    %swap3A_33 = arith.constant 0 : index
    %swap3A_34 = vector.load %arg4[%swap3A, %swap3A_33] : memref<10016x128xf32, #tpu.memory_space<vmem>>, vector<10016x128xf32>
    tpu.vector_store %arg4[%swap3A, %swap3A_33], %add3A_32 {strides = array<i32>} : memref<10016x128xf32, #tpu.memory_space<vmem>>, vector<10016x128xf32>,
    return
  }
}

</mosaic_0001>

<sc_bundles>
// kernel: kernel.11.cloned.1.call-start
scs
__scs_entry_jumppad:
0x0: {  	(pc) =	sbr.rel $0x88, $3  }
0x1: {  	(tag) =	ssettag $0x0;
	lr =	simm.s32 $0x1  }
0x2: {  	[smem:$0x3F9B] =	sst lr;
	_ =	strace $0xD0000000  }
0x3: {  	_ = 	snop  }
0x4: {  	_ = 	snop  }
0x5: {  	_ = 	snop  }
0x6: {  	_ = 	snop  }
0x7: {  	_ = 	snop  }
__scs_overlays_trampoline_lowered:
0x8: {  	[smem:$0x3FAA] =	sst s0  }
0x9: {  	[smem:$0x3FAB] =	sst s1  }
0xa: {  	[smem:$0x3FAC] =	sst s2  }
0xb: {  	[smem:$0x3FAD] =	sst s3  }
0xc: {  	[smem:$0x3FAE] =	sst s4  }
0xd: {  	[smem:$0x3FAF] =	sst s5  }
0xe: {  	[smem:$0x3FB0] =	sst s6  }
0xf: {  	[smem:$0x3FB1] =	sst s7  }
0x10: {  	[smem:$0x3FB2] =	sst s8  }
0x11: {  	[smem:$0x3FB3] =	sst s9;
	s0 =	simm.s32 @!p0 $0x0  }
0x12: {  	s1 =	sld [smem:$0x3F99];
	s0 =	simm.s32 @p0 $0x1  }
0x13: {  	[smem:$0x3FB4] =	sst s0;
	s0 =	simm.s32 @!p1 $0x0  }
0x14: {  	s2 =	sld [smem:$0x3F98];
	s0 =	simm.s32 @p1 $0x1  }
0x15: {  	[smem:$0x3FB5] =	sst s0;
	s0 =	simm.s32 @!p2 $0x0  }
0x16: {  	s3 =	sld [smem:$0x3FDB];
	s0 =	simm.s32 @p2 $0x1  }
0x17: {  	s4 =	simm.s32 $0x1BF5;
	[smem:$0x3FB7] =	sst s0  }
0x18: {  	s0 =	sld [smem:$0x3F9A];
	_ =	swait.ge [sflag:s4], $0x0  }
0x19: {  	s7 =	sld [smem:$0x3F9B]  }
0x1a: {  	s8 =	sadd.s32 $0xFFFFE003, lr  }
0x1b: {  	s9 =	sadd.s32 $0xFFFFFEF7, lr;
	s5 =	simm.s32 $0xFFFFFFFF;
	p2 =	slt.u32 s8, $0xFFFFF086  }
0x1c: {  	p1 =	slt.u32 s9, $0xF7A;
	s5 =	simm.s32 @!p2 $0x0  }
0x1d: {  	s5 =	simm.s32 @p1 $0x1;
	p0 =	seq.s32 s7, s2  }
0x1e: {  	s7 =	smul.u32 @!p0 $0xF7A, s2;
	p2 =	seq.s32 @!p0 s5, $0x0  }
0x1f: {  	s9 =	smul.u32 $0xF7A, s1;
	s8 =	simm.s32 @!p0 $0x1BF5;
	p2 =	por !p2, p0  }
0x20: {  	[sflag:s8] =	ssyncset.s32 @!p0 $0xFFFFF086;
	s6 =	sadd.s32 @!p0 s3, s7;
	s7 =	simm.s32 @!p0 $0x108  }
0x21: {  	s3 =	sadd.s32 s3, s9;
	s6 =	sadd.s32 @!p0 $0x88, s6;
	s7 =	simm.s32 @p2 $0x1082  }
0x22: {  	[simem:s7], [sflag:s8] =	dma.local @!p0 [hbm:s6], $0xF7A  }
0x23: {  	s9 =	sor.u32 $0xD0000000, s2;
	s6 =	simm.s32 $0x108;
	_ =	swait.ge @!p0 [sflag:s8], $0x0  }
0x24: {  	s3 =	sadd.s32 $0x88, s3;
	s6 =	simm.s32 @!p1 $0x1082;
	[sflag:s4] =	ssyncset.s32 $0xFFFFF086  }
0x25: {  	[simem:s6], [sflag:s4] =	dma.local [hbm:s3], $0xF7A  }
0x26: {  	[smem:$0x3F9B] =	sst s1;
	(tag) =	ssettag s2;
	_ =	strace s9  }
0x27: {  	s1 =	sld [smem:$0x3FAB]  }
0x28: {  	s2 =	sld [smem:$0x3FAC]  }
0x29: {  	s4 =	sld [smem:$0x3FAE]  }
0x2a: {  	p0 =	seq.s32 s5, $0x0;
	s5 =	sld [smem:$0x3FAF]  }
0x2b: {  	s6 =	sld [smem:$0x3FB0]  }
0x2c: {  	s7 =	sld [smem:$0x3FB1]  }
0x2d: {  	s3 =	simm.s32 $0x108;
	s8 =	sld [smem:$0x3FB2]  }
0x2e: {  	s3 =	simm.s32 @!p0 $0x1082;
	s9 =	sld [smem:$0x3FB3]  }
0x2f: {  	lr =	sadd.s32 s0, s3;
	s0 =	sld [smem:$0x3FAA]  }
0x30: {  	s3 =	sld [smem:$0x3FAD]  }
0x31: {  	[smem:$0x3FB6] =	sst s10  }
0x32: {  	s10 =	sld [smem:$0x3FB4];
	_ =	sdelay $0x3  }
0x33: {  	p0 =	seq.s32 s10, $0x1;
	s10 =	sld [smem:$0x3FB6];
	_ =	sdelay $0x3  }
0x34: {  	[smem:$0x3FB6] =	sst s10  }
0x35: {  	s10 =	sld [smem:$0x3FB5];
	_ =	sdelay $0x3  }
0x36: {  	p1 =	seq.s32 s10, $0x1;
	s10 =	sld [smem:$0x3FB6];
	_ =	sdelay $0x3  }
0x37: {  	[smem:$0x3FB6] =	sst s10  }
0x38: {  	s10 =	sld [smem:$0x3FB7]  }
0x39: {  	_ = 	snop;
	(pc) =	sbr.ind lr, $3  }
0x3a: {  	_ = 	snop  }
0x3b: {  	_ = 	snop  }
0x3c: {  	p2 =	seq.s32 s10, $0x1;
	s10 =	sld [smem:$0x3FB6]  }
0x3d: {  	_ =	shalt  }
0x3e: {  	_ =	shalt  }
0x3f: {  	_ =	shalt  }
0x40: {  	_ =	shalt  }
0x41: {  	_ =	shalt  }
0x42: {  	_ =	shalt  }
0x43: {  	_ =	shalt  }
0x44: {  	_ =	shalt  }
0x45: {  	_ =	shalt  }
0x46: {  	_ =	shalt  }
0x47: {  	_ =	shalt  }
0x48: {  	_ =	shalt  }
0x49: {  	_ =	shalt  }
0x4a: {  	_ =	shalt  }
0x4b: {  	_ =	shalt  }
0x4c: {  	_ =	shalt  }
0x4d: {  	_ =	shalt  }
0x4e: {  	_ =	shalt  }
0x4f: {  	_ =	shalt  }
0x50: {  	_ =	shalt  }
0x51: {  	_ =	shalt  }
0x52: {  	_ =	shalt  }
0x53: {  	_ =	shalt  }
0x54: {  	_ =	shalt  }
0x55: {  	_ =	shalt  }
0x56: {  	_ =	shalt  }
0x57: {  	_ =	shalt  }
0x58: {  	_ =	shalt  }
0x59: {  	_ =	shalt  }
0x5a: {  	_ =	shalt  }
0x5b: {  	_ =	shalt  }
0x5c: {  	_ =	shalt  }
0x5d: {  	_ =	shalt  }
0x5e: {  	_ =	shalt  }
0x5f: {  	_ =	shalt  }
0x60: {  	_ =	shalt  }
0x61: {  	_ =	shalt  }
0x62: {  	_ =	shalt  }
0x63: {  	_ =	shalt  }
0x64: {  	_ =	shalt  }
0x65: {  	_ =	shalt  }
0x66: {  	_ =	shalt  }
0x67: {  	_ =	shalt  }
0x68: {  	_ =	shalt  }
0x69: {  	_ =	shalt  }
0x6a: {  	_ =	shalt  }
0x6b: {  	_ =	shalt  }
0x6c: {  	_ =	shalt  }
0x6d: {  	_ =	shalt  }
0x6e: {  	_ =	shalt  }
0x6f: {  	_ =	shalt  }
0x70: {  	_ =	shalt  }
0x71: {  	_ =	shalt  }
0x72: {  	_ =	shalt  }
0x73: {  	_ =	shalt  }
0x74: {  	_ =	shalt  }
0x75: {  	_ =	shalt  }
0x76: {  	_ =	shalt  }
0x77: {  	_ =	shalt  }
0x78: {  	_ =	shalt  }
0x79: {  	_ =	shalt  }
0x7a: {  	_ =	shalt  }
0x7b: {  	_ =	shalt  }
0x7c: {  	_ =	shalt  }
0x7d: {  	_ =	shalt  }
0x7e: {  	_ =	shalt  }
0x7f: {  	_ =	shalt  }
0x80: {  	_ =	shalt  }
0x81: {  	_ =	shalt  }
0x82: {  	_ =	shalt  }
0x83: {  	_ =	shalt  }
0x84: {  	_ =	shalt  }
0x85: {  	_ =	shalt  }
0x86: {  	_ =	shalt  }
0x87: {  	_ =	shalt  }
.Lfunc_end0:
.L_simem_size_0:
called_computation.1_lowered:
.L_overlay_start_0:
0x88: {  	s2 =	sld [smem:$0x3FD9]  }
0x89: {  	s3 =	sld [smem:$0x3FFE];
	_ =	sdelay $0x1  }
0x8a: {  	s1 =	srdreg.scid  }
0x8b: {  	s0 =	sand.u32 $0x1, s1  }
0x8c: {  	s17 =	sshll.u32 s0, $0xA;
	s2 =	sadd.s32 s3, s2  }
0x8d: {  	s2 =	sadd.s32 s2, s17  }
0x8e: {  	[smem:$0x3FC2] =	sst s2  }
0x8f: {  	_ = 	snop  }
0x90: {  	s2 =	sld [smem:$0x3FD0];
	(tm) =	ssettm $0x1  }
0x91: {  	s18 =	sld [smem:$0x3FFB];
	_ =	sdelay $0x3  }
0x92: {  	_ =	strace s18  }
0x93: {  	s3 =	sld [smem:$0x3FFC];
	_ =	sdelay $0x3  }
0x94: {  	_ =	strace s3  }
0x95: {  	s3 =	sld [smem:$0x3FFD];
	_ =	sdelay $0x3  }
0x96: {  	_ =	strace s3  }
0x97: {  	_ =	strace $0x8FFFFFFF  }
0x98: {  	s19 =	sld [smem:$0x3FDB];
	_ =	sdelay $0x1  }
0x99: {  	s4 =	simm.s32 $_scs_section_size  }
0x9a: {  	s5 =	simm.s32 $_size__tile_overlayer_lowered;
	s6 =	simm.s32 $_tile_overlayer_lowered  }
0x9b: {  	s22 =	simm.s32 $0x1BFF;
	s21 =	sshll.u32 s6, $0x1;
	s3 =	sadd.s32 s4, s19  }
0x9c: {  	s7 =	simm.s32 $0x0;
	s20 =	sshll.u32 s5, $0x1;
	s5 =	sadd.s32 s21, s3  }
0x9d: {  	[timem:s7], [sflag:s22] =	dma.local [hbm:s5], s20  }
0x9e: {  	_ =	swait.ge [sflag:s22], s20  }
0x9f: {  	s4 =	ssub.s32 $0x0, s20;
	[sflag:s22] =	ssyncset.done $0x0  }
0xa0: {  	[sflag:s22] =	ssyncadd.s32 s4;
	_ =	sdelay $0x1  }
0xa1: {  	s23 =	simm.s32 $0x1B8B  }
0xa2: {  	_ =	swait.ge [sflag:s23], $0x1  }
0xa3: {  	[sflag:s23] =	ssyncset.done $0x0  }
0xa4: {  	s25 =	simm.s32 $0x1B8E;
	s24 =	sld [smem:$0x3FFE];
	[sflag:s23] =	ssyncadd.s32 $0xFFFFFFFF  }
0xa5: {  	s26 =	simm.s32 $execute0_lowered;
	[smem:$0x3FD2] =	sst s25  }
0xa6: {  	s5 =	sshll.u32 s26, $0x1;
	_ =	strace $0x80000049;
	[dreg:$0x1] =	wrdreg $0xFFFFFFFF  }
0xa7: {  	s28 =	simm.s32 $_size_execute0_lowered;
	s3 =	sadd.s32 s3, s5;
	[dreg:$0x0] =	wrdreg $0x0  }
0xa8: {  	s5 =	sshll.u32 s28, $0x1;
	[dreg:$0x2] =	wrdreg s3  }
0xa9: {  	[dreg:$0x3] =	wrdreg s5  }
0xaa: {  	[dreg:$0x4] =	wrdreg $0xC0  }
0xab: {  	_ =	task [dreg:s7], $0x5FFFF  }
0xac: {  	[dreg:$0x1] =	wrdreg $0xFFFFFFFF  }
0xad: {  	[dreg:$0x0] =	wrdreg $0x60  }
0xae: {  	[dreg:$0x2] =	wrdreg s24  }
0xaf: {  	[dreg:$0x3] =	wrdreg s2  }
0xb0: {  	[dreg:$0x4] =	wrdreg $0x83000  }
0xb1: {  	[dreg:$0x5] =	wrdreg $0x9  }
0xb2: {  	_ =	task.clear_ibuf [dreg:s7], $0x6FFFF;
	_ =	strace $0x90000049  }
0xb3: {  	s29 =	simm.s32 $0x9;
	_ =	strace $0x8000004B  }
0xb4: {  	_ =	swait.ge [sflag:s29], $0x1  }
0xb5: {  	[sflag:s29] =	ssyncadd.s32 $0xFFFFFFFF  }
0xb6: {  	_ =	strace $0x9000004B  }
0xb7: {  	_ =	sfence  }
0xb8: {  	s30 =	sld [smem:$0x0];
	_ =	sdelay $0x2  }
0xb9: {  	s31 =	sshll.u32 s1, $0xD;
	s1 =	sshrl.u32 s1, $0x2  }
0xba: {  	s3 =	sand.u32 $0x4000, s31;
	s1 =	sadd.s32 s1, s30  }
0xbb: {  	s0 =	sor.u32 s3, s0;
	s1 =	sshll.u32 s1, $0x11  }
0xbc: {  	s0 =	sor.u32 s1, s0  }
0xbd: {  	s0 =	sadd.s32 $0x8F2B, s0  }
0xbe: {  	[sflag:s0] =	ssyncadd.remote.s32 $0x1  }
0xbf: {  	_ =	sfence.sel $0xFFFF  }
0xc0: {  	[dreg:$0x0] =	wrdreg $0xFFFFFFFF;
	(pc) =	sbr.abs _section_cstart, $3  }
0xc1: {  	[dreg:$0x1] =	wrdreg $0xFFFFFFFF  }
0xc2: {  	_ =	task.clear_ibuf [dreg:s7], $0x2FFFF;
	_ =	strace $0x9FFFFFFF  }
0xc3: {  	(tm) =	ssettm $0x7FFFFFFF  }
tec
execute0_lowered:
.L_overlay_start_1:
0x0: {  	(tag) =	ssettag $0x1  }
0x1: {  	s6 =	rddreg [dreg:$0x0]  }
0x2: {  	s11 =	rddreg [dreg:$0x1]  }
0x3: {  	s1 =	rddreg [dreg:$0x2]  }
0x4: {  	s3 =	simm.s32 $0x0;
	s2 =	srdreg.scid;
	s16 =	simm.s32 $0x80  }
0x5: {  	s17 =	simm.s32 $0x300;
	[smem:$0x7FF] =	sst s3;
	s7 =	sand.u32 $0x1, s2  }
0x6: {  	s18 =	simm.s32 $0x0;
	s2 =	stileid.u32;
	s8 =	smul.u32 $0x140000, s7  }
0x7: {  	s4 =	sadd.s32 $0x50200, s6;
	_ =	strace $0x8000004A;
	s9 =	smul.u32 $0x14000, s2  }
0x8: {  	s5 =	sshll.u32 s2, $0x1;
	s12 =	smul.u32 $0x50000, s2;
	s28 =	ssub.s32 $0x2, s7  }
0x9: {  	s13 =	smul.u32 $0x9E00, s2;
	s29 =	sshll.u32 s2, $0x6;
	s10 =	sor.u32 s7, s5  }
0xa: {  	s5 =	sadd.s32 $0x77400, s6;
	s14 =	sshrl.u32 s28, $0x1;
	s7 =	smul.u32 $0x4F00, s7  }
0xb: {  	s8 =	sadd.s32 s9, s8;
	s26 =	smul.u32 $0x4F00, s10;
	s12 =	sshrl.u32 s12, $0x2  }
0xc: {  	s10 =	ssub.s32 s28, s14;
	s14 =	simm.s32 $0x100;
	s8 =	sshrl.u32 s8, $0x3  }
0xd: {  	s12 =	sadd.s32 s12, s1;
	s31 =	sadd.s32 s7, s13;
	s10 =	smax.u32 s10, $0x1  }
0xe: {  	s15 =	sadd.s32 s8, s6;
	s30 =	sshrl.u32 s26, $0x3;
	s6 =	sor.u32 $0x1C06, s29  }
0xf: {  	s13 =	sadd.s32 $0x200, s31;
	s12 =	sshrl.u32 s12, $0x3;
	s7 =	sadd.s32 s11, s30  }
0x10: {  	s9 =	sadd.s32 $0x79C00, s15;
	s13 =	sshrl.u32 s13, $0x3;
	s15 =	simm.s32 $0x1  }
0x11: {  	s8 =	sadd.s32 $0x20, s7;
	s11 =	sadd.s32 s13, s11;
	s13 =	simm.s32 $0x6  }
.LBB2_1:
0x12: {  	[spmem:s12], [sflag:s6] =	dma.local [hbm:s5], $0x2800  }
0x13: {  	s21 =	simm.s32 $0x0  }
0x14: {  	s20 =	simm.s32 $0x2;
	p1 =	por $0x0, $0x0;
	s19 =	smul.u32 $0xAB, s21  }
0x15: {  	p0 =	por $0x0, $0x0;
	s22 =	simm.s32 $0x1;
	s20 =	smul.u32 @!p1 $0xAB, s20  }
0x16: {  	_ =	swait.ge [sflag:s13], $0x2800;
	s24 =	smul.u32 @!p0 $0xAB, s22;
	s22 =	sand.u32 @!p0 $0x1, s22  }
0x17: {  	s21 =	sand.u32 $0x1, s21;
	s28 =	simm.s32 @!p1 $0x0;
	[sflag:s13] =	ssyncset.done $0x0  }
0x18: {  	s26 =	sor.u32 $0x4, s21;
	[sflag:s13] =	ssyncadd.s32 $0xFFFFD800;
	s20 =	sshrl.u32 @!p1 s20, $0x9  }
0x19: {  	s21 =	sshll.u32 s21, $0xE;
	[bflag:$0x0] =	sbarrier.arrive $0xFFFF;
	s20 =	sand.u32 @!p1 $0x7F, s20  }
0x1a: {  	[tilespmem:s3], [sflag:$0x1] =	stream.linear.gather [hbm4b:s7+s3], $0x100, $0x38;
	[tilespmem:$0x1C300] =	vst v63  }
0x1b: {  	s19 =	sshrl.u32 s19, $0x9;
	s24 =	sshrl.u32 @!p0 s24, $0x9;
	s25 =	smul.u32 @!p1 $0x3, s20  }
0x1c: {  	[tilespmem:s14], [sflag:$0x2] =	stream.linear.gather [hbm4b:s8+s3], $0x100, $0x38;
	[tilespmem:$0x1C300] =	vst v63  }
0x1d: {  	s19 =	sand.u32 $0x7F, s19;
	s24 =	sand.u32 @!p0 $0x7F, s24;
	_ =	swait.ge [sflag:s15], $0x100  }
0x1e: {  	s23 =	smul.u32 $0x3, s19;
	s25 =	ssub.s32 @!p1 $0x2, s25;
	[sflag:s15] =	ssyncset.done $0x0  }
0x1f: {  	s19 =	simm.s32 $0x3;
	s25 =	sand.u32 @!p1 $0xFF, s25;
	[sflag:s15] =	ssyncadd.s32 $0xFFFFFF00  }
0x20: {  	[tilespmem:s17], [sflag:$0x4] =	stream.indirect.gather [hbm4b:s4+s16], $0x80, s3, s16, $0xb8;
	[tilespmem:$0x1C300] =	vst v63  }
0x21: {  	s24 =	smul.u32 @!p0 $0x3, s24;
	s29 =	sshll.u32 @!p1 s25, $0x8;
	s25 =	sadd.s32 @!p1 $0x1, s25  }
0x22: {  	[tilespmem:s29], [sflag:s25] =	stream.linear.gather @!p1 [hbm4b:s11+s28], $0x100, $0x38;
	[tilespmem:$0x1C300] =	vst v63  }
0x23: {  	s20 =	simm.s32 $0x4;
	s24 =	ssub.s32 @!p0 $0x1, s24;
	_ =	swait.ge [sflag:s26], $0x4000  }
0x24: {  	s23 =	ssub.s32 $0x0, s23;
	s24 =	sand.u32 @!p0 $0xFF, s24;
	[sflag:s26] =	ssyncset.done $0x0  }
0x25: {  	s23 =	sand.u32 $0xFF, s23;
	[sflag:s26] =	ssyncadd.s32 $0xFFFFC000;
	s26 =	sadd.s32 @!p0 $0x1, s24  }
0x26: {  	s31 =	sshll.u32 s23, $0x8;
	s23 =	sshll.u32 @!p0 s24, $0x8;
	_ =	swait.ge @!p0 [sflag:s26], $0x100  }
0x27: {  	s25 =	sshll.u32 @!p0 s22, $0xE;
	s22 =	sor.u32 @!p0 $0x4, s22;
	[sflag:s26] =	ssyncset.done @!p0 $0x0  }
0x28: {  	s25 =	sor.u32 @!p0 $0x300, s25;
	s24 =	simm.s32 @!p0 $0x80;
	[sflag:s26] =	ssyncadd.s32 @!p0 $0xFFFFFF00  }
0x29: {  	[tilespmem:s25], [sflag:s22] =	stream.indirect.gather @!p0 [hbm4b:s4+s24], $0x80, s23, s24, $0xb8;
	[tilespmem:$0x1C300] =	vst v63  }
0x2a: {  	s23 =	sor.u32 $0x300, s21;
	s22 =	simm.s32 $0x1;
	s21 =	sadd.s32 $0x20, s11  }
0x2b: {  	p0 =	por $0x0, $0x0;
	s25 =	sor.u32 $0x80, s31;
	s24 =	smul.u32 $0xAB, s22  }
.LBB2_2:
0x2c: {  	[spmem:s1] =	stream.indirect.scatter.add.f32 [tilespmem:s23], [sflag:$0x6], $0x80, s25, s16, $0xb8;
	[tilespmem:$0x1C300] =	vst v63  }
0x2d: {  	s23 =	smov.u32 s20  }
0x2e: {  	s25 =	smul.u32 @!p0 $0xAB, s19;
	s24 =	sshrl.u32 s24, $0x9;
	_ =	swait.ge [sflag:s13], $0x4000  }
0x2f: {  	p1 =	seq.s32 s19, $0x50;
	s24 =	sand.u32 $0x7F, s24;
	[sflag:s13] =	ssyncset.done $0x0  }
0x30: {  	s26 =	sadd.s32 $0xFFFFFFFF, s19;
	s25 =	sshrl.u32 @!p0 s25, $0x9;
	[sflag:s13] =	ssyncadd.s32 $0xFFFFC000  }
0x31: {  	s28 =	sand.u32 @!p1 $0x1, s26;
	s24 =	smul.u32 $0x3, s24;
	s25 =	sand.u32 @!p0 $0x7F, s25  }
0x32: {  	s20 =	sadd.s32 $0x1, s20;
	s29 =	smul.u32 @!p1 $0xAB, s26;
	s30 =	sshll.u32 @!p1 s28, $0xE  }
0x33: {  	s31 =	sand.u32 $0x1, s22;
	s22 =	ssub.s32 s22, s24;
	s24 =	smul.u32 @!p0 $0x3, s25  }
0x34: {  	s29 =	sshrl.u32 @!p1 s29, $0x9;
	s25 =	sor.u32 $0x4, s31;
	s22 =	sand.u32 $0xFF, s22  }
0x35: {  	s19 =	ssub.s32 @!p0 s19, s24;
	s24 =	sand.u32 @!p1 $0x7F, s29;
	s29 =	sshll.u32 s22, $0x8  }
0x36: {  	p2 =	sne.s32 s20, $0x51;
	s22 =	simm.s32 @!p0 $0x0;
	s19 =	sand.u32 @!p0 $0xFF, s19  }
0x37: {  	s24 =	smul.u32 @!p1 $0x3, s24;
	s0 =	sshll.u32 @!p0 s19, $0x8;
	s19 =	sadd.s32 @!p0 $0x1, s19  }
0x38: {  	[tilespmem:s0], [sflag:s19] =	stream.linear.gather @!p0 [hbm4b:s21+s22], $0x100, $0x38;
	[tilespmem:$0x1C300] =	vst v63  }
0x39: {  	s0 =	ssub.s32 @!p1 s26, s24;
	s19 =	smov.u32 s23;
	_ =	swait.ge [sflag:s25], $0x4000  }
0x3a: {  	s0 =	sand.u32 @!p1 $0xFF, s0;
	[sflag:s25] =	ssyncset.done $0x0  }
0x3b: {  	s22 =	sadd.s32 @!p1 $0x1, s0;
	s0 =	sshll.u32 @!p1 s0, $0x8;
	[sflag:s25] =	ssyncadd.s32 $0xFFFFC000  }
0x3c: {  	s23 =	sshll.u32 s31, $0xE;
	s24 =	sor.u32 @!p1 $0x4, s28;
	_ =	swait.ge @!p1 [sflag:s22], $0x100  }
.Ltmp0:
0x3d: {  	s25 =	simm.s32 @!p1 $0x80;
	[sflag:s22] =	ssyncset.done @!p1 $0x0;
	(pc) =	sbr.rel @p2 .LBB2_2-.Ltmp0, $4  }
0x3e: {  	s23 =	sor.u32 $0x300, s23;
	[sflag:s22] =	ssyncadd.s32 @!p1 $0xFFFFFF00;
	s22 =	sor.u32 @!p1 $0x300, s30  }
0x3f: {  	[tilespmem:s22], [sflag:s24] =	stream.indirect.gather @!p1 [hbm4b:s4+s25], $0x80, s0, s25, $0xb8;
	[tilespmem:$0x1C300] =	vst v63  }
0x40: {  	s21 =	sadd.s32 $0x20, s21;
	s22 =	sadd.s32 $0xFFFFFFFE, s19  }
0x41: {  	s25 =	sor.u32 $0x80, s29;
	s24 =	smul.u32 $0xAB, s22;
	p0 =	sgt.u32 s22, $0x4C  }
0x42: {  	[spmem:s1] =	stream.indirect.scatter.add.f32 [tilespmem:s23], [sflag:$0x6], $0x80, s25, s16, $0xb8;
	[tilespmem:$0x1C300] =	vst v63  }
0x43: {  	s0 =	smul.u32 @!p0 $0xAB, s19  }
0x44: {  	p1 =	seq.s32 s19, $0x50;
	s23 =	sadd.s32 $0xFFFFFFFF, s19  }
0x45: {  	s26 =	sand.u32 $0x1, s22;
	s20 =	sshrl.u32 s24, $0x9;
	s0 =	sshrl.u32 @!p0 s0, $0x9  }
0x46: {  	_ =	swait.ge [sflag:s13], $0x4000;
	s24 =	smul.u32 @!p1 $0xAB, s23;
	s0 =	sand.u32 @!p0 $0x7F, s0  }
0x47: {  	s25 =	sand.u32 @!p1 $0x1, s23;
	[sflag:s13] =	ssyncset.done $0x0;
	s0 =	smul.u32 @!p0 $0x3, s0  }
0x48: {  	s28 =	sor.u32 $0x4, s26;
	s20 =	sand.u32 $0x7F, s20;
	[sflag:s13] =	ssyncadd.s32 $0xFFFFC000  }
0x49: {  	s20 =	smul.u32 $0x3, s20;
	s24 =	sshrl.u32 @!p1 s24, $0x9;
	s0 =	ssub.s32 @!p0 s19, s0  }
0x4a: {  	s19 =	sand.u32 @!p1 $0x7F, s24;
	s24 =	simm.s32 @!p0 $0x0;
	s0 =	sand.u32 @!p0 $0xFF, s0  }
0x4b: {  	s19 =	smul.u32 @!p1 $0x3, s19;
	s29 =	sshll.u32 @!p0 s0, $0x8;
	s0 =	sadd.s32 @!p0 $0x1, s0  }
0x4c: {  	[tilespmem:s29], [sflag:s0] =	stream.linear.gather @!p0 [hbm4b:s21+s24], $0x100, $0x38;
	[tilespmem:$0x1C300] =	vst v63  }
0x4d: {  	s20 =	ssub.s32 s22, s20;
	s19 =	ssub.s32 @!p1 s23, s19;
	_ =	swait.ge [sflag:s28], $0x4000  }
0x4e: {  	s20 =	sand.u32 $0xFF, s20;
	s19 =	sand.u32 @!p1 $0xFF, s19;
	[sflag:s28] =	ssyncset.done $0x0  }
0x4f: {  	s20 =	sshll.u32 s20, $0x8;
	s21 =	sadd.s32 @!p1 $0x1, s19;
	[sflag:s28] =	ssyncadd.s32 $0xFFFFC000  }
0x50: {  	s0 =	sshll.u32 @!p1 s25, $0xE;
	s29 =	sshll.u32 s26, $0xE;
	_ =	swait.ge @!p1 [sflag:s21], $0x100  }
0x51: {  	s23 =	sor.u32 @!p1 $0x4, s25;
	s24 =	simm.s32 @!p1 $0x80;
	[sflag:s21] =	ssyncset.done @!p1 $0x0  }
0x52: {  	s0 =	sor.u32 @!p1 $0x300, s0;
	s19 =	sshll.u32 @!p1 s19, $0x8;
	[sflag:s21] =	ssyncadd.s32 @!p1 $0xFFFFFF00  }
0x53: {  	[tilespmem:s0], [sflag:s23] =	stream.indirect.gather @!p1 [hbm4b:s4+s24], $0x80, s19, s24, $0xb8;
	[tilespmem:$0x1C300] =	vst v63  }
0x54: {  	s31 =	sor.u32 $0x80, s20;
	s30 =	sor.u32 $0x300, s29  }
0x55: {  	[spmem:s1] =	stream.indirect.scatter.add.f32 [tilespmem:s30], [sflag:$0x6], $0x80, s31, s16, $0xb8;
	[tilespmem:$0x1C300] =	vst v63  }
0x56: {  	_ =	swait.ge [sflag:s13], $0x4000  }
0x57: {  	s18 =	sadd.s32 $0x1, s18;
	[sflag:s13] =	ssyncset.done $0x0  }
0x58: {  	p0 =	sne.s32 s18, s10;
	[sflag:s13] =	ssyncadd.s32 $0xFFFFC000  }
.Ltmp1:
0x59: {  	[bflag:$0x0] =	sbarrier.arrive $0xFFFF;
	(pc) =	sbr.rel @p0 .LBB2_1-.Ltmp1, $4  }
0x5a: {  	[hbm:s9], [sflag:s6] =	dma.local [spmem:s12], $0x2800  }
0x5b: {  	_ =	swait.ge [sflag:s13], $0x2800  }
0x5c: {  	[sflag:s13] =	ssyncset.done $0x0  }
0x5d: {  	[sflag:s13] =	ssyncadd.s32 $0xFFFFD800  }
0x5e: {  	_ =	sfence.sel $0x180000  }
0x5f: {  	[bflag:$0x0] =	sbarrier.arrive $0xFFFF  }
0x60: {  	_ =	strace $0x9000004A  }
0x61: {  	[bflag:$0x2] =	sbarrier.arrive $0xFFFF  }
0x62: {  	p0 =	sne.s32 s2, $0x0;
	s0 =	rddreg [dreg:$0x3]  }
0x63: {  	s0 =	sadd.s32 @!p0 $0x100000, s0  }
0x64: {  	[sflag:s0] =	ssyncadd.tile.s32 @!p0 $0x1;
	_ =	shalt  }
.Lfunc_end2:
_tile_overlayer_lowered:
.L_overlay_start_2:
0x65: {  	(tag) =	ssettag $0x2  }
0x66: {  	s0 =	rddreg [dreg:$0x0];
	s2 =	stileid.u32  }
0x67: {  	s1 =	rddreg [dreg:$0x1];
	p0 =	sne.s32 s2, $0x0  }
0x68: {  	s3 =	rddreg [dreg:$0x2];
	[bflag:$0x3] =	sbarrier.arrive $0xFFFF;
	s2 =	simm.s32 @!p0 $0x1C06  }
0x69: {  	[timem:s3], [sflag:s2] =	dma.local @!p0 [hbm:s0], s1  }
0x6a: {  	s0 =	simm.s32 @!p0 $0x6  }
0x6b: {  	_ =	swait.ge @!p0 [sflag:s0], s1  }
0x6c: {  	s1 =	ssub.s32 @!p0 $0x0, s1;
	[sflag:s0] =	ssyncset.done @!p0 $0x0  }
0x6d: {  	[sflag:s0] =	ssyncadd.s32 @!p0 s1  }
0x6e: {  	[bflag:$0x3] =	sbarrier.arrive $0xFFFF  }
0x6f: {  	_ =	shalt  }

// kernel: kernel.14.cloned.1.call-start
scs
__scs_entry_jumppad:
0x0: {  	(pc) =	sbr.rel $0x88, $3  }
0x1: {  	(tag) =	ssettag $0x0;
	lr =	simm.s32 $0x1  }
0x2: {  	[smem:$0x3F9B] =	sst lr;
	_ =	strace $0xD0000000  }
0x3: {  	_ = 	snop  }
0x4: {  	_ = 	snop  }
0x5: {  	_ = 	snop  }
0x6: {  	_ = 	snop  }
0x7: {  	_ = 	snop  }
__scs_overlays_trampoline_lowered:
0x8: {  	[smem:$0x3FAA] =	sst s0  }
0x9: {  	[smem:$0x3FAB] =	sst s1  }
0xa: {  	[smem:$0x3FAC] =	sst s2  }
0xb: {  	[smem:$0x3FAD] =	sst s3  }
0xc: {  	[smem:$0x3FAE] =	sst s4  }
0xd: {  	[smem:$0x3FAF] =	sst s5  }
0xe: {  	[smem:$0x3FB0] =	sst s6  }
0xf: {  	[smem:$0x3FB1] =	sst s7  }
0x10: {  	[smem:$0x3FB2] =	sst s8  }
0x11: {  	[smem:$0x3FB3] =	sst s9;
	s0 =	simm.s32 @!p0 $0x0  }
0x12: {  	s1 =	sld [smem:$0x3F99];
	s0 =	simm.s32 @p0 $0x1  }
0x13: {  	[smem:$0x3FB4] =	sst s0;
	s0 =	simm.s32 @!p1 $0x0  }
0x14: {  	s2 =	sld [smem:$0x3F98];
	s0 =	simm.s32 @p1 $0x1  }
0x15: {  	[smem:$0x3FB5] =	sst s0;
	s0 =	simm.s32 @!p2 $0x0  }
0x16: {  	s3 =	sld [smem:$0x3FDB];
	s0 =	simm.s32 @p2 $0x1  }
0x17: {  	s4 =	simm.s32 $0x1BF5;
	[smem:$0x3FB7] =	sst s0  }
0x18: {  	s0 =	sld [smem:$0x3F9A];
	_ =	swait.ge [sflag:s4], $0x0  }
0x19: {  	s7 =	sld [smem:$0x3F9B]  }
0x1a: {  	s8 =	sadd.s32 $0xFFFFE003, lr  }
0x1b: {  	s9 =	sadd.s32 $0xFFFFFEF7, lr;
	s5 =	simm.s32 $0xFFFFFFFF;
	p2 =	slt.u32 s8, $0xFFFFF086  }
0x1c: {  	p1 =	slt.u32 s9, $0xF7A;
	s5 =	simm.s32 @!p2 $0x0  }
0x1d: {  	s5 =	simm.s32 @p1 $0x1;
	p0 =	seq.s32 s7, s2  }
0x1e: {  	s7 =	smul.u32 @!p0 $0xF7A, s2;
	p2 =	seq.s32 @!p0 s5, $0x0  }
0x1f: {  	s9 =	smul.u32 $0xF7A, s1;
	s8 =	simm.s32 @!p0 $0x1BF5;
	p2 =	por !p2, p0  }
0x20: {  	[sflag:s8] =	ssyncset.s32 @!p0 $0xFFFFF086;
	s6 =	sadd.s32 @!p0 s3, s7;
	s7 =	simm.s32 @!p0 $0x108  }
0x21: {  	s3 =	sadd.s32 s3, s9;
	s6 =	sadd.s32 @!p0 $0x88, s6;
	s7 =	simm.s32 @p2 $0x1082  }
0x22: {  	[simem:s7], [sflag:s8] =	dma.local @!p0 [hbm:s6], $0xF7A  }
0x23: {  	s9 =	sor.u32 $0xD0000000, s2;
	s6 =	simm.s32 $0x108;
	_ =	swait.ge @!p0 [sflag:s8], $0x0  }
0x24: {  	s3 =	sadd.s32 $0x88, s3;
	s6 =	simm.s32 @!p1 $0x1082;
	[sflag:s4] =	ssyncset.s32 $0xFFFFF086  }
0x25: {  	[simem:s6], [sflag:s4] =	dma.local [hbm:s3], $0xF7A  }
0x26: {  	[smem:$0x3F9B] =	sst s1;
	(tag) =	ssettag s2;
	_ =	strace s9  }
0x27: {  	s1 =	sld [smem:$0x3FAB]  }
0x28: {  	s2 =	sld [smem:$0x3FAC]  }
0x29: {  	s4 =	sld [smem:$0x3FAE]  }
0x2a: {  	p0 =	seq.s32 s5, $0x0;
	s5 =	sld [smem:$0x3FAF]  }
0x2b: {  	s6 =	sld [smem:$0x3FB0]  }
0x2c: {  	s7 =	sld [smem:$0x3FB1]  }
0x2d: {  	s3 =	simm.s32 $0x108;
	s8 =	sld [smem:$0x3FB2]  }
0x2e: {  	s3 =	simm.s32 @!p0 $0x1082;
	s9 =	sld [smem:$0x3FB3]  }
0x2f: {  	lr =	sadd.s32 s0, s3;
	s0 =	sld [smem:$0x3FAA]  }
0x30: {  	s3 =	sld [smem:$0x3FAD]  }
0x31: {  	[smem:$0x3FB6] =	sst s10  }
0x32: {  	s10 =	sld [smem:$0x3FB4];
	_ =	sdelay $0x3  }
0x33: {  	p0 =	seq.s32 s10, $0x1;
	s10 =	sld [smem:$0x3FB6];
	_ =	sdelay $0x3  }
0x34: {  	[smem:$0x3FB6] =	sst s10  }
0x35: {  	s10 =	sld [smem:$0x3FB5];
	_ =	sdelay $0x3  }
0x36: {  	p1 =	seq.s32 s10, $0x1;
	s10 =	sld [smem:$0x3FB6];
	_ =	sdelay $0x3  }
0x37: {  	[smem:$0x3FB6] =	sst s10  }
0x38: {  	s10 =	sld [smem:$0x3FB7]  }
0x39: {  	_ = 	snop;
	(pc) =	sbr.ind lr, $3  }
0x3a: {  	_ = 	snop  }
0x3b: {  	_ = 	snop  }
0x3c: {  	p2 =	seq.s32 s10, $0x1;
	s10 =	sld [smem:$0x3FB6]  }
0x3d: {  	_ =	shalt  }
0x3e: {  	_ =	shalt  }
0x3f: {  	_ =	shalt  }
0x40: {  	_ =	shalt  }
0x41: {  	_ =	shalt  }
0x42: {  	_ =	shalt  }
0x43: {  	_ =	shalt  }
0x44: {  	_ =	shalt  }
0x45: {  	_ =	shalt  }
0x46: {  	_ =	shalt  }
0x47: {  	_ =	shalt  }
0x48: {  	_ =	shalt  }
0x49: {  	_ =	shalt  }
0x4a: {  	_ =	shalt  }
0x4b: {  	_ =	shalt  }
0x4c: {  	_ =	shalt  }
0x4d: {  	_ =	shalt  }
0x4e: {  	_ =	shalt  }
0x4f: {  	_ =	shalt  }
0x50: {  	_ =	shalt  }
0x51: {  	_ =	shalt  }
0x52: {  	_ =	shalt  }
0x53: {  	_ =	shalt  }
0x54: {  	_ =	shalt  }
0x55: {  	_ =	shalt  }
0x56: {  	_ =	shalt  }
0x57: {  	_ =	shalt  }
0x58: {  	_ =	shalt  }
0x59: {  	_ =	shalt  }
0x5a: {  	_ =	shalt  }
0x5b: {  	_ =	shalt  }
0x5c: {  	_ =	shalt  }
0x5d: {  	_ =	shalt  }
0x5e: {  	_ =	shalt  }
0x5f: {  	_ =	shalt  }
0x60: {  	_ =	shalt  }
0x61: {  	_ =	shalt  }
0x62: {  	_ =	shalt  }
0x63: {  	_ =	shalt  }
0x64: {  	_ =	shalt  }
0x65: {  	_ =	shalt  }
0x66: {  	_ =	shalt  }
0x67: {  	_ =	shalt  }
0x68: {  	_ =	shalt  }
0x69: {  	_ =	shalt  }
0x6a: {  	_ =	shalt  }
0x6b: {  	_ =	shalt  }
0x6c: {  	_ =	shalt  }
0x6d: {  	_ =	shalt  }
0x6e: {  	_ =	shalt  }
0x6f: {  	_ =	shalt  }
0x70: {  	_ =	shalt  }
0x71: {  	_ =	shalt  }
0x72: {  	_ =	shalt  }
0x73: {  	_ =	shalt  }
0x74: {  	_ =	shalt  }
0x75: {  	_ =	shalt  }
0x76: {  	_ =	shalt  }
0x77: {  	_ =	shalt  }
0x78: {  	_ =	shalt  }
0x79: {  	_ =	shalt  }
0x7a: {  	_ =	shalt  }
0x7b: {  	_ =	shalt  }
0x7c: {  	_ =	shalt  }
0x7d: {  	_ =	shalt  }
0x7e: {  	_ =	shalt  }
0x7f: {  	_ =	shalt  }
0x80: {  	_ =	shalt  }
0x81: {  	_ =	shalt  }
0x82: {  	_ =	shalt  }
0x83: {  	_ =	shalt  }
0x84: {  	_ =	shalt  }
0x85: {  	_ =	shalt  }
0x86: {  	_ =	shalt  }
0x87: {  	_ =	shalt  }
.Lfunc_end0:
.L_simem_size_0:
called_computation.2_lowered:
.L_overlay_start_0:
0x88: {  	s2 =	sld [smem:$0x3FD9]  }
0x89: {  	s3 =	sld [smem:$0x3FFE];
	_ =	sdelay $0x1  }
0x8a: {  	s1 =	srdreg.scid  }
0x8b: {  	s0 =	sand.u32 $0x1, s1  }
0x8c: {  	s17 =	sshll.u32 s0, $0xA;
	s2 =	sadd.s32 s3, s2  }
0x8d: {  	s2 =	sadd.s32 s2, s17  }
0x8e: {  	[smem:$0x3FC2] =	sst s2  }
0x8f: {  	_ = 	snop  }
0x90: {  	s2 =	sld [smem:$0x3FD0];
	(tm) =	ssettm $0x1  }
0x91: {  	s18 =	sld [smem:$0x3FFB];
	_ =	sdelay $0x3  }
0x92: {  	_ =	strace s18  }
0x93: {  	s3 =	sld [smem:$0x3FFC];
	_ =	sdelay $0x3  }
0x94: {  	_ =	strace s3  }
0x95: {  	s3 =	sld [smem:$0x3FFD];
	_ =	sdelay $0x3  }
0x96: {  	_ =	strace s3  }
0x97: {  	_ =	strace $0x8FFFFFFF  }
0x98: {  	s19 =	sld [smem:$0x3FDB];
	_ =	sdelay $0x1  }
0x99: {  	s4 =	simm.s32 $_scs_section_size  }
0x9a: {  	s5 =	simm.s32 $_size__tile_overlayer_lowered;
	s6 =	simm.s32 $_tile_overlayer_lowered  }
0x9b: {  	s22 =	simm.s32 $0x1BFF;
	s21 =	sshll.u32 s6, $0x1;
	s3 =	sadd.s32 s4, s19  }
0x9c: {  	s7 =	simm.s32 $0x0;
	s20 =	sshll.u32 s5, $0x1;
	s5 =	sadd.s32 s21, s3  }
0x9d: {  	[timem:s7], [sflag:s22] =	dma.local [hbm:s5], s20  }
0x9e: {  	_ =	swait.ge [sflag:s22], s20  }
0x9f: {  	s4 =	ssub.s32 $0x0, s20;
	[sflag:s22] =	ssyncset.done $0x0  }
0xa0: {  	[sflag:s22] =	ssyncadd.s32 s4;
	_ =	sdelay $0x1  }
0xa1: {  	s23 =	simm.s32 $0x1B8B  }
0xa2: {  	_ =	swait.ge [sflag:s23], $0x1  }
0xa3: {  	[sflag:s23] =	ssyncset.done $0x0  }
0xa4: {  	s25 =	simm.s32 $0x1B8E;
	s24 =	sld [smem:$0x3FFE];
	[sflag:s23] =	ssyncadd.s32 $0xFFFFFFFF  }
0xa5: {  	s26 =	simm.s32 $execute0_lowered;
	[smem:$0x3FD2] =	sst s25  }
0xa6: {  	s5 =	sshll.u32 s26, $0x1;
	_ =	strace $0x8000004C;
	[dreg:$0x1] =	wrdreg $0xFFFFFFFF  }
0xa7: {  	s28 =	simm.s32 $_size_execute0_lowered;
	s3 =	sadd.s32 s3, s5;
	[dreg:$0x0] =	wrdreg $0x0  }
0xa8: {  	s5 =	sshll.u32 s28, $0x1;
	[dreg:$0x2] =	wrdreg s3  }
0xa9: {  	[dreg:$0x3] =	wrdreg s5  }
0xaa: {  	[dreg:$0x4] =	wrdreg $0xC0  }
0xab: {  	_ =	task [dreg:s7], $0x5FFFF  }
0xac: {  	[dreg:$0x1] =	wrdreg $0xFFFFFFFF  }
0xad: {  	[dreg:$0x0] =	wrdreg $0x60  }
0xae: {  	[dreg:$0x2] =	wrdreg s24  }
0xaf: {  	[dreg:$0x3] =	wrdreg s2  }
0xb0: {  	[dreg:$0x4] =	wrdreg $0x83000  }
0xb1: {  	[dreg:$0x5] =	wrdreg $0x9  }
0xb2: {  	_ =	task.clear_ibuf [dreg:s7], $0x6FFFF;
	_ =	strace $0x9000004C  }
0xb3: {  	s29 =	simm.s32 $0x9;
	_ =	strace $0x8000004E  }
0xb4: {  	_ =	swait.ge [sflag:s29], $0x1  }
0xb5: {  	[sflag:s29] =	ssyncadd.s32 $0xFFFFFFFF  }
0xb6: {  	_ =	strace $0x9000004E  }
0xb7: {  	_ =	sfence  }
0xb8: {  	s30 =	sld [smem:$0x0];
	_ =	sdelay $0x2  }
0xb9: {  	s31 =	sshll.u32 s1, $0xD;
	s1 =	sshrl.u32 s1, $0x2  }
0xba: {  	s3 =	sand.u32 $0x4000, s31;
	s1 =	sadd.s32 s1, s30  }
0xbb: {  	s0 =	sor.u32 s3, s0;
	s1 =	sshll.u32 s1, $0x11  }
0xbc: {  	s0 =	sor.u32 s1, s0  }
0xbd: {  	s0 =	sadd.s32 $0x8F2B, s0  }
0xbe: {  	[sflag:s0] =	ssyncadd.remote.s32 $0x1  }
0xbf: {  	_ =	sfence.sel $0xFFFF  }
0xc0: {  	[dreg:$0x0] =	wrdreg $0xFFFFFFFF;
	(pc) =	sbr.abs _section_cstart, $3  }
0xc1: {  	[dreg:$0x1] =	wrdreg $0xFFFFFFFF  }
0xc2: {  	_ =	task.clear_ibuf [dreg:s7], $0x2FFFF;
	_ =	strace $0x9FFFFFFF  }
0xc3: {  	(tm) =	ssettm $0x7FFFFFFF  }
tec
execute0_lowered:
.L_overlay_start_1:
0x0: {  	(tag) =	ssettag $0x1  }
0x1: {  	s6 =	rddreg [dreg:$0x0]  }
0x2: {  	s11 =	rddreg [dreg:$0x1]  }
0x3: {  	s1 =	rddreg [dreg:$0x2]  }
0x4: {  	s3 =	simm.s32 $0x0;
	s2 =	srdreg.scid;
	s16 =	simm.s32 $0x80  }
0x5: {  	s17 =	simm.s32 $0x300;
	[smem:$0x7FF] =	sst s3;
	s7 =	sand.u32 $0x1, s2  }
0x6: {  	s18 =	simm.s32 $0x0;
	s2 =	stileid.u32;
	s8 =	smul.u32 $0x140000, s7  }
0x7: {  	s4 =	sadd.s32 $0x50200, s6;
	_ =	strace $0x8000004D;
	s9 =	smul.u32 $0x14000, s2  }
0x8: {  	s5 =	sshll.u32 s2, $0x1;
	s12 =	smul.u32 $0x50000, s2;
	s28 =	ssub.s32 $0x2, s7  }
0x9: {  	s13 =	smul.u32 $0x9E00, s2;
	s29 =	sshll.u32 s2, $0x6;
	s10 =	sor.u32 s7, s5  }
0xa: {  	s5 =	sadd.s32 $0x77400, s6;
	s14 =	sshrl.u32 s28, $0x1;
	s7 =	smul.u32 $0x4F00, s7  }
0xb: {  	s8 =	sadd.s32 s9, s8;
	s26 =	smul.u32 $0x4F00, s10;
	s12 =	sshrl.u32 s12, $0x2  }
0xc: {  	s10 =	ssub.s32 s28, s14;
	s14 =	simm.s32 $0x100;
	s8 =	sshrl.u32 s8, $0x3  }
0xd: {  	s12 =	sadd.s32 s12, s1;
	s31 =	sadd.s32 s7, s13;
	s10 =	smax.u32 s10, $0x1  }
0xe: {  	s15 =	sadd.s32 s8, s6;
	s30 =	sshrl.u32 s26, $0x3;
	s6 =	sor.u32 $0x1C06, s29  }
0xf: {  	s13 =	sadd.s32 $0x200, s31;
	s12 =	sshrl.u32 s12, $0x3;
	s7 =	sadd.s32 s11, s30  }
0x10: {  	s9 =	sadd.s32 $0x79C00, s15;
	s13 =	sshrl.u32 s13, $0x3;
	s15 =	simm.s32 $0x1  }
0x11: {  	s8 =	sadd.s32 $0x20, s7;
	s11 =	sadd.s32 s13, s11;
	s13 =	simm.s32 $0x6  }
.LBB2_1:
0x12: {  	[spmem:s12], [sflag:s6] =	dma.local [hbm:s5], $0x2800  }
0x13: {  	s21 =	simm.s32 $0x0  }
0x14: {  	s20 =	simm.s32 $0x2;
	p1 =	por $0x0, $0x0;
	s19 =	smul.u32 $0xAB, s21  }
0x15: {  	p0 =	por $0x0, $0x0;
	s22 =	simm.s32 $0x1;
	s20 =	smul.u32 @!p1 $0xAB, s20  }
0x16: {  	_ =	swait.ge [sflag:s13], $0x2800;
	s24 =	smul.u32 @!p0 $0xAB, s22;
	s22 =	sand.u32 @!p0 $0x1, s22  }
0x17: {  	s21 =	sand.u32 $0x1, s21;
	s28 =	simm.s32 @!p1 $0x0;
	[sflag:s13] =	ssyncset.done $0x0  }
0x18: {  	s26 =	sor.u32 $0x4, s21;
	[sflag:s13] =	ssyncadd.s32 $0xFFFFD800;
	s20 =	sshrl.u32 @!p1 s20, $0x9  }
0x19: {  	s21 =	sshll.u32 s21, $0xE;
	[bflag:$0x0] =	sbarrier.arrive $0xFFFF;
	s20 =	sand.u32 @!p1 $0x7F, s20  }
0x1a: {  	[tilespmem:s3], [sflag:$0x1] =	stream.linear.gather [hbm4b:s7+s3], $0x100, $0x38;
	[tilespmem:$0x1C300] =	vst v63  }
0x1b: {  	s19 =	sshrl.u32 s19, $0x9;
	s24 =	sshrl.u32 @!p0 s24, $0x9;
	s25 =	smul.u32 @!p1 $0x3, s20  }
0x1c: {  	[tilespmem:s14], [sflag:$0x2] =	stream.linear.gather [hbm4b:s8+s3], $0x100, $0x38;
	[tilespmem:$0x1C300] =	vst v63  }
0x1d: {  	s19 =	sand.u32 $0x7F, s19;
	s24 =	sand.u32 @!p0 $0x7F, s24;
	_ =	swait.ge [sflag:s15], $0x100  }
0x1e: {  	s23 =	smul.u32 $0x3, s19;
	s25 =	ssub.s32 @!p1 $0x2, s25;
	[sflag:s15] =	ssyncset.done $0x0  }
0x1f: {  	s19 =	simm.s32 $0x3;
	s25 =	sand.u32 @!p1 $0xFF, s25;
	[sflag:s15] =	ssyncadd.s32 $0xFFFFFF00  }
0x20: {  	[tilespmem:s17], [sflag:$0x4] =	stream.indirect.gather [hbm4b:s4+s16], $0x80, s3, s16, $0xb8;
	[tilespmem:$0x1C300] =	vst v63  }
0x21: {  	s24 =	smul.u32 @!p0 $0x3, s24;
	s29 =	sshll.u32 @!p1 s25, $0x8;
	s25 =	sadd.s32 @!p1 $0x1, s25  }
0x22: {  	[tilespmem:s29], [sflag:s25] =	stream.linear.gather @!p1 [hbm4b:s11+s28], $0x100, $0x38;
	[tilespmem:$0x1C300] =	vst v63  }
0x23: {  	s20 =	simm.s32 $0x4;
	s24 =	ssub.s32 @!p0 $0x1, s24;
	_ =	swait.ge [sflag:s26], $0x4000  }
0x24: {  	s23 =	ssub.s32 $0x0, s23;
	s24 =	sand.u32 @!p0 $0xFF, s24;
	[sflag:s26] =	ssyncset.done $0x0  }
0x25: {  	s23 =	sand.u32 $0xFF, s23;
	[sflag:s26] =	ssyncadd.s32 $0xFFFFC000;
	s26 =	sadd.s32 @!p0 $0x1, s24  }
0x26: {  	s31 =	sshll.u32 s23, $0x8;
	s23 =	sshll.u32 @!p0 s24, $0x8;
	_ =	swait.ge @!p0 [sflag:s26], $0x100  }
0x27: {  	s25 =	sshll.u32 @!p0 s22, $0xE;
	s22 =	sor.u32 @!p0 $0x4, s22;
	[sflag:s26] =	ssyncset.done @!p0 $0x0  }
0x28: {  	s25 =	sor.u32 @!p0 $0x300, s25;
	s24 =	simm.s32 @!p0 $0x80;
	[sflag:s26] =	ssyncadd.s32 @!p0 $0xFFFFFF00  }
0x29: {  	[tilespmem:s25], [sflag:s22] =	stream.indirect.gather @!p0 [hbm4b:s4+s24], $0x80, s23, s24, $0xb8;
	[tilespmem:$0x1C300] =	vst v63  }
0x2a: {  	s23 =	sor.u32 $0x300, s21;
	s22 =	simm.s32 $0x1;
	s21 =	sadd.s32 $0x20, s11  }
0x2b: {  	p0 =	por $0x0, $0x0;
	s25 =	sor.u32 $0x80, s31;
	s24 =	smul.u32 $0xAB, s22  }
.LBB2_2:
0x2c: {  	[spmem:s1] =	stream.indirect.scatter.add.f32 [tilespmem:s23], [sflag:$0x6], $0x80, s25, s16, $0xb8;
	[tilespmem:$0x1C300] =	vst v63  }
0x2d: {  	s23 =	smov.u32 s20  }
0x2e: {  	s25 =	smul.u32 @!p0 $0xAB, s19;
	s24 =	sshrl.u32 s24, $0x9;
	_ =	swait.ge [sflag:s13], $0x4000  }
0x2f: {  	p1 =	seq.s32 s19, $0x50;
	s24 =	sand.u32 $0x7F, s24;
	[sflag:s13] =	ssyncset.done $0x0  }
0x30: {  	s26 =	sadd.s32 $0xFFFFFFFF, s19;
	s25 =	sshrl.u32 @!p0 s25, $0x9;
	[sflag:s13] =	ssyncadd.s32 $0xFFFFC000  }
0x31: {  	s28 =	sand.u32 @!p1 $0x1, s26;
	s24 =	smul.u32 $0x3, s24;
	s25 =	sand.u32 @!p0 $0x7F, s25  }
0x32: {  	s20 =	sadd.s32 $0x1, s20;
	s29 =	smul.u32 @!p1 $0xAB, s26;
	s30 =	sshll.u32 @!p1 s28, $0xE  }
0x33: {  	s31 =	sand.u32 $0x1, s22;
	s22 =	ssub.s32 s22, s24;
	s24 =	smul.u32 @!p0 $0x3, s25  }
0x34: {  	s29 =	sshrl.u32 @!p1 s29, $0x9;
	s25 =	sor.u32 $0x4, s31;
	s22 =	sand.u32 $0xFF, s22  }
0x35: {  	s19 =	ssub.s32 @!p0 s19, s24;
	s24 =	sand.u32 @!p1 $0x7F, s29;
	s29 =	sshll.u32 s22, $0x8  }
0x36: {  	p2 =	sne.s32 s20, $0x51;
	s22 =	simm.s32 @!p0 $0x0;
	s19 =	sand.u32 @!p0 $0xFF, s19  }
0x37: {  	s24 =	smul.u32 @!p1 $0x3, s24;
	s0 =	sshll.u32 @!p0 s19, $0x8;
	s19 =	sadd.s32 @!p0 $0x1, s19  }
0x38: {  	[tilespmem:s0], [sflag:s19] =	stream.linear.gather @!p0 [hbm4b:s21+s22], $0x100, $0x38;
	[tilespmem:$0x1C300] =	vst v63  }
0x39: {  	s0 =	ssub.s32 @!p1 s26, s24;
	s19 =	smov.u32 s23;
	_ =	swait.ge [sflag:s25], $0x4000  }
0x3a: {  	s0 =	sand.u32 @!p1 $0xFF, s0;
	[sflag:s25] =	ssyncset.done $0x0  }
0x3b: {  	s22 =	sadd.s32 @!p1 $0x1, s0;
	s0 =	sshll.u32 @!p1 s0, $0x8;
	[sflag:s25] =	ssyncadd.s32 $0xFFFFC000  }
0x3c: {  	s23 =	sshll.u32 s31, $0xE;
	s24 =	sor.u32 @!p1 $0x4, s28;
	_ =	swait.ge @!p1 [sflag:s22], $0x100  }
.Ltmp0:
0x3d: {  	s25 =	simm.s32 @!p1 $0x80;
	[sflag:s22] =	ssyncset.done @!p1 $0x0;
	(pc) =	sbr.rel @p2 .LBB2_2-.Ltmp0, $4  }
0x3e: {  	s23 =	sor.u32 $0x300, s23;
	[sflag:s22] =	ssyncadd.s32 @!p1 $0xFFFFFF00;
	s22 =	sor.u32 @!p1 $0x300, s30  }
0x3f: {  	[tilespmem:s22], [sflag:s24] =	stream.indirect.gather @!p1 [hbm4b:s4+s25], $0x80, s0, s25, $0xb8;
	[tilespmem:$0x1C300] =	vst v63  }
0x40: {  	s21 =	sadd.s32 $0x20, s21;
	s22 =	sadd.s32 $0xFFFFFFFE, s19  }
0x41: {  	s25 =	sor.u32 $0x80, s29;
	s24 =	smul.u32 $0xAB, s22;
	p0 =	sgt.u32 s22, $0x4C  }
0x42: {  	[spmem:s1] =	stream.indirect.scatter.add.f32 [tilespmem:s23], [sflag:$0x6], $0x80, s25, s16, $0xb8;
	[tilespmem:$0x1C300] =	vst v63  }
0x43: {  	s0 =	smul.u32 @!p0 $0xAB, s19  }
0x44: {  	p1 =	seq.s32 s19, $0x50;
	s23 =	sadd.s32 $0xFFFFFFFF, s19  }
0x45: {  	s26 =	sand.u32 $0x1, s22;
	s20 =	sshrl.u32 s24, $0x9;
	s0 =	sshrl.u32 @!p0 s0, $0x9  }
0x46: {  	_ =	swait.ge [sflag:s13], $0x4000;
	s24 =	smul.u32 @!p1 $0xAB, s23;
	s0 =	sand.u32 @!p0 $0x7F, s0  }
0x47: {  	s25 =	sand.u32 @!p1 $0x1, s23;
	[sflag:s13] =	ssyncset.done $0x0;
	s0 =	smul.u32 @!p0 $0x3, s0  }
0x48: {  	s28 =	sor.u32 $0x4, s26;
	s20 =	sand.u32 $0x7F, s20;
	[sflag:s13] =	ssyncadd.s32 $0xFFFFC000  }
0x49: {  	s20 =	smul.u32 $0x3, s20;
	s24 =	sshrl.u32 @!p1 s24, $0x9;
	s0 =	ssub.s32 @!p0 s19, s0  }
0x4a: {  	s19 =	sand.u32 @!p1 $0x7F, s24;
	s24 =	simm.s32 @!p0 $0x0;
	s0 =	sand.u32 @!p0 $0xFF, s0  }
0x4b: {  	s19 =	smul.u32 @!p1 $0x3, s19;
	s29 =	sshll.u32 @!p0 s0, $0x8;
	s0 =	sadd.s32 @!p0 $0x1, s0  }
0x4c: {  	[tilespmem:s29], [sflag:s0] =	stream.linear.gather @!p0 [hbm4b:s21+s24], $0x100, $0x38;
	[tilespmem:$0x1C300] =	vst v63  }
0x4d: {  	s20 =	ssub.s32 s22, s20;
	s19 =	ssub.s32 @!p1 s23, s19;
	_ =	swait.ge [sflag:s28], $0x4000  }
0x4e: {  	s20 =	sand.u32 $0xFF, s20;
	s19 =	sand.u32 @!p1 $0xFF, s19;
	[sflag:s28] =	ssyncset.done $0x0  }
0x4f: {  	s20 =	sshll.u32 s20, $0x8;
	s21 =	sadd.s32 @!p1 $0x1, s19;
	[sflag:s28] =	ssyncadd.s32 $0xFFFFC000  }
0x50: {  	s0 =	sshll.u32 @!p1 s25, $0xE;
	s29 =	sshll.u32 s26, $0xE;
	_ =	swait.ge @!p1 [sflag:s21], $0x100  }
0x51: {  	s23 =	sor.u32 @!p1 $0x4, s25;
	s24 =	simm.s32 @!p1 $0x80;
	[sflag:s21] =	ssyncset.done @!p1 $0x0  }
0x52: {  	s0 =	sor.u32 @!p1 $0x300, s0;
	s19 =	sshll.u32 @!p1 s19, $0x8;
	[sflag:s21] =	ssyncadd.s32 @!p1 $0xFFFFFF00  }
0x53: {  	[tilespmem:s0], [sflag:s23] =	stream.indirect.gather @!p1 [hbm4b:s4+s24], $0x80, s19, s24, $0xb8;
	[tilespmem:$0x1C300] =	vst v63  }
0x54: {  	s31 =	sor.u32 $0x80, s20;
	s30 =	sor.u32 $0x300, s29  }
0x55: {  	[spmem:s1] =	stream.indirect.scatter.add.f32 [tilespmem:s30], [sflag:$0x6], $0x80, s31, s16, $0xb8;
	[tilespmem:$0x1C300] =	vst v63  }
0x56: {  	_ =	swait.ge [sflag:s13], $0x4000  }
0x57: {  	s18 =	sadd.s32 $0x1, s18;
	[sflag:s13] =	ssyncset.done $0x0  }
0x58: {  	p0 =	sne.s32 s18, s10;
	[sflag:s13] =	ssyncadd.s32 $0xFFFFC000  }
.Ltmp1:
0x59: {  	[bflag:$0x0] =	sbarrier.arrive $0xFFFF;
	(pc) =	sbr.rel @p0 .LBB2_1-.Ltmp1, $4  }
0x5a: {  	[hbm:s9], [sflag:s6] =	dma.local [spmem:s12], $0x2800  }
0x5b: {  	_ =	swait.ge [sflag:s13], $0x2800  }
0x5c: {  	[sflag:s13] =	ssyncset.done $0x0  }
0x5d: {  	[sflag:s13] =	ssyncadd.s32 $0xFFFFD800  }
0x5e: {  	_ =	sfence.sel $0x180000  }
0x5f: {  	[bflag:$0x0] =	sbarrier.arrive $0xFFFF  }
0x60: {  	_ =	strace $0x9000004D  }
0x61: {  	[bflag:$0x2] =	sbarrier.arrive $0xFFFF  }
0x62: {  	p0 =	sne.s32 s2, $0x0;
	s0 =	rddreg [dreg:$0x3]  }
0x63: {  	s0 =	sadd.s32 @!p0 $0x100000, s0  }
0x64: {  	[sflag:s0] =	ssyncadd.tile.s32 @!p0 $0x1;
	_ =	shalt  }
.Lfunc_end2:
_tile_overlayer_lowered:
.L_overlay_start_2:
0x65: {  	(tag) =	ssettag $0x2  }
0x66: {  	s0 =	rddreg [dreg:$0x0];
	s2 =	stileid.u32  }
0x67: {  	s1 =	rddreg [dreg:$0x1];
	p0 =	sne.s32 s2, $0x0  }
0x68: {  	s3 =	rddreg [dreg:$0x2];
	[bflag:$0x3] =	sbarrier.arrive $0xFFFF;
	s2 =	simm.s32 @!p0 $0x1C06  }
0x69: {  	[timem:s3], [sflag:s2] =	dma.local @!p0 [hbm:s0], s1  }
0x6a: {  	s0 =	simm.s32 @!p0 $0x6  }
0x6b: {  	_ =	swait.ge @!p0 [sflag:s0], s1  }
0x6c: {  	s1 =	ssub.s32 @!p0 $0x0, s1;
	[sflag:s0] =	ssyncset.done @!p0 $0x0  }
0x6d: {  	[sflag:s0] =	ssyncadd.s32 @!p0 s1  }
0x6e: {  	[bflag:$0x3] =	sbarrier.arrive $0xFFFF  }
0x6f: {  	_ =	shalt  }

// kernel: kernel.8.cloned.1.call-start
scs
__scs_entry_jumppad:
0x0: {  	(pc) =	sbr.rel $0x88, $3  }
0x1: {  	(tag) =	ssettag $0x0;
	lr =	simm.s32 $0x1  }
0x2: {  	[smem:$0x3F9B] =	sst lr;
	_ =	strace $0xD0000000  }
0x3: {  	_ = 	snop  }
0x4: {  	_ = 	snop  }
0x5: {  	_ = 	snop  }
0x6: {  	_ = 	snop  }
0x7: {  	_ = 	snop  }
__scs_overlays_trampoline_lowered:
0x8: {  	[smem:$0x3FAA] =	sst s0  }
0x9: {  	[smem:$0x3FAB] =	sst s1  }
0xa: {  	[smem:$0x3FAC] =	sst s2  }
0xb: {  	[smem:$0x3FAD] =	sst s3  }
0xc: {  	[smem:$0x3FAE] =	sst s4  }
0xd: {  	[smem:$0x3FAF] =	sst s5  }
0xe: {  	[smem:$0x3FB0] =	sst s6  }
0xf: {  	[smem:$0x3FB1] =	sst s7  }
0x10: {  	[smem:$0x3FB2] =	sst s8  }
0x11: {  	[smem:$0x3FB3] =	sst s9;
	s0 =	simm.s32 @!p0 $0x0  }
0x12: {  	s1 =	sld [smem:$0x3F99];
	s0 =	simm.s32 @p0 $0x1  }
0x13: {  	[smem:$0x3FB4] =	sst s0;
	s0 =	simm.s32 @!p1 $0x0  }
0x14: {  	s2 =	sld [smem:$0x3F98];
	s0 =	simm.s32 @p1 $0x1  }
0x15: {  	[smem:$0x3FB5] =	sst s0;
	s0 =	simm.s32 @!p2 $0x0  }
0x16: {  	s3 =	sld [smem:$0x3FDB];
	s0 =	simm.s32 @p2 $0x1  }
0x17: {  	s4 =	simm.s32 $0x1BF5;
	[smem:$0x3FB7] =	sst s0  }
0x18: {  	s0 =	sld [smem:$0x3F9A];
	_ =	swait.ge [sflag:s4], $0x0  }
0x19: {  	s7 =	sld [smem:$0x3F9B]  }
0x1a: {  	s8 =	sadd.s32 $0xFFFFE003, lr  }
0x1b: {  	s9 =	sadd.s32 $0xFFFFFEF7, lr;
	s5 =	simm.s32 $0xFFFFFFFF;
	p2 =	slt.u32 s8, $0xFFFFF086  }
0x1c: {  	p1 =	slt.u32 s9, $0xF7A;
	s5 =	simm.s32 @!p2 $0x0  }
0x1d: {  	s5 =	simm.s32 @p1 $0x1;
	p0 =	seq.s32 s7, s2  }
0x1e: {  	s7 =	smul.u32 @!p0 $0xF7A, s2;
	p2 =	seq.s32 @!p0 s5, $0x0  }
0x1f: {  	s9 =	smul.u32 $0xF7A, s1;
	s8 =	simm.s32 @!p0 $0x1BF5;
	p2 =	por !p2, p0  }
0x20: {  	[sflag:s8] =	ssyncset.s32 @!p0 $0xFFFFF086;
	s6 =	sadd.s32 @!p0 s3, s7;
	s7 =	simm.s32 @!p0 $0x108  }
0x21: {  	s3 =	sadd.s32 s3, s9;
	s6 =	sadd.s32 @!p0 $0x88, s6;
	s7 =	simm.s32 @p2 $0x1082  }
0x22: {  	[simem:s7], [sflag:s8] =	dma.local @!p0 [hbm:s6], $0xF7A  }
0x23: {  	s9 =	sor.u32 $0xD0000000, s2;
	s6 =	simm.s32 $0x108;
	_ =	swait.ge @!p0 [sflag:s8], $0x0  }
0x24: {  	s3 =	sadd.s32 $0x88, s3;
	s6 =	simm.s32 @!p1 $0x1082;
	[sflag:s4] =	ssyncset.s32 $0xFFFFF086  }
0x25: {  	[simem:s6], [sflag:s4] =	dma.local [hbm:s3], $0xF7A  }
0x26: {  	[smem:$0x3F9B] =	sst s1;
	(tag) =	ssettag s2;
	_ =	strace s9  }
0x27: {  	s1 =	sld [smem:$0x3FAB]  }
0x28: {  	s2 =	sld [smem:$0x3FAC]  }
0x29: {  	s4 =	sld [smem:$0x3FAE]  }
0x2a: {  	p0 =	seq.s32 s5, $0x0;
	s5 =	sld [smem:$0x3FAF]  }
0x2b: {  	s6 =	sld [smem:$0x3FB0]  }
0x2c: {  	s7 =	sld [smem:$0x3FB1]  }
0x2d: {  	s3 =	simm.s32 $0x108;
	s8 =	sld [smem:$0x3FB2]  }
0x2e: {  	s3 =	simm.s32 @!p0 $0x1082;
	s9 =	sld [smem:$0x3FB3]  }
0x2f: {  	lr =	sadd.s32 s0, s3;
	s0 =	sld [smem:$0x3FAA]  }
0x30: {  	s3 =	sld [smem:$0x3FAD]  }
0x31: {  	[smem:$0x3FB6] =	sst s10  }
0x32: {  	s10 =	sld [smem:$0x3FB4];
	_ =	sdelay $0x3  }
0x33: {  	p0 =	seq.s32 s10, $0x1;
	s10 =	sld [smem:$0x3FB6];
	_ =	sdelay $0x3  }
0x34: {  	[smem:$0x3FB6] =	sst s10  }
0x35: {  	s10 =	sld [smem:$0x3FB5];
	_ =	sdelay $0x3  }
0x36: {  	p1 =	seq.s32 s10, $0x1;
	s10 =	sld [smem:$0x3FB6];
	_ =	sdelay $0x3  }
0x37: {  	[smem:$0x3FB6] =	sst s10  }
0x38: {  	s10 =	sld [smem:$0x3FB7]  }
0x39: {  	_ = 	snop;
	(pc) =	sbr.ind lr, $3  }
0x3a: {  	_ = 	snop  }
0x3b: {  	_ = 	snop  }
0x3c: {  	p2 =	seq.s32 s10, $0x1;
	s10 =	sld [smem:$0x3FB6]  }
0x3d: {  	_ =	shalt  }
0x3e: {  	_ =	shalt  }
0x3f: {  	_ =	shalt  }
0x40: {  	_ =	shalt  }
0x41: {  	_ =	shalt  }
0x42: {  	_ =	shalt  }
0x43: {  	_ =	shalt  }
0x44: {  	_ =	shalt  }
0x45: {  	_ =	shalt  }
0x46: {  	_ =	shalt  }
0x47: {  	_ =	shalt  }
0x48: {  	_ =	shalt  }
0x49: {  	_ =	shalt  }
0x4a: {  	_ =	shalt  }
0x4b: {  	_ =	shalt  }
0x4c: {  	_ =	shalt  }
0x4d: {  	_ =	shalt  }
0x4e: {  	_ =	shalt  }
0x4f: {  	_ =	shalt  }
0x50: {  	_ =	shalt  }
0x51: {  	_ =	shalt  }
0x52: {  	_ =	shalt  }
0x53: {  	_ =	shalt  }
0x54: {  	_ =	shalt  }
0x55: {  	_ =	shalt  }
0x56: {  	_ =	shalt  }
0x57: {  	_ =	shalt  }
0x58: {  	_ =	shalt  }
0x59: {  	_ =	shalt  }
0x5a: {  	_ =	shalt  }
0x5b: {  	_ =	shalt  }
0x5c: {  	_ =	shalt  }
0x5d: {  	_ =	shalt  }
0x5e: {  	_ =	shalt  }
0x5f: {  	_ =	shalt  }
0x60: {  	_ =	shalt  }
0x61: {  	_ =	shalt  }
0x62: {  	_ =	shalt  }
0x63: {  	_ =	shalt  }
0x64: {  	_ =	shalt  }
0x65: {  	_ =	shalt  }
0x66: {  	_ =	shalt  }
0x67: {  	_ =	shalt  }
0x68: {  	_ =	shalt  }
0x69: {  	_ =	shalt  }
0x6a: {  	_ =	shalt  }
0x6b: {  	_ =	shalt  }
0x6c: {  	_ =	shalt  }
0x6d: {  	_ =	shalt  }
0x6e: {  	_ =	shalt  }
0x6f: {  	_ =	shalt  }
0x70: {  	_ =	shalt  }
0x71: {  	_ =	shalt  }
0x72: {  	_ =	shalt  }
0x73: {  	_ =	shalt  }
0x74: {  	_ =	shalt  }
0x75: {  	_ =	shalt  }
0x76: {  	_ =	shalt  }
0x77: {  	_ =	shalt  }
0x78: {  	_ =	shalt  }
0x79: {  	_ =	shalt  }
0x7a: {  	_ =	shalt  }
0x7b: {  	_ =	shalt  }
0x7c: {  	_ =	shalt  }
0x7d: {  	_ =	shalt  }
0x7e: {  	_ =	shalt  }
0x7f: {  	_ =	shalt  }
0x80: {  	_ =	shalt  }
0x81: {  	_ =	shalt  }
0x82: {  	_ =	shalt  }
0x83: {  	_ =	shalt  }
0x84: {  	_ =	shalt  }
0x85: {  	_ =	shalt  }
0x86: {  	_ =	shalt  }
0x87: {  	_ =	shalt  }
.Lfunc_end0:
.L_simem_size_0:
called_computation_lowered:
.L_overlay_start_0:
0x88: {  	s2 =	sld [smem:$0x3FD9]  }
0x89: {  	s3 =	sld [smem:$0x3FFE];
	_ =	sdelay $0x1  }
0x8a: {  	s1 =	srdreg.scid  }
0x8b: {  	s0 =	sand.u32 $0x1, s1  }
0x8c: {  	s16 =	sshll.u32 s0, $0xA;
	s2 =	sadd.s32 s3, s2  }
0x8d: {  	s2 =	sadd.s32 s2, s16  }
0x8e: {  	[smem:$0x3FC2] =	sst s2  }
0x8f: {  	_ = 	snop  }
0x90: {  	(tm) =	ssettm $0x1  }
0x91: {  	s17 =	sld [smem:$0x3FFB];
	_ =	sdelay $0x3  }
0x92: {  	_ =	strace s17  }
0x93: {  	s2 =	sld [smem:$0x3FFC];
	_ =	sdelay $0x3  }
0x94: {  	_ =	strace s2  }
0x95: {  	s2 =	sld [smem:$0x3FFD];
	_ =	sdelay $0x3  }
0x96: {  	_ =	strace s2  }
0x97: {  	_ =	strace $0x8FFFFFFF  }
0x98: {  	s18 =	sld [smem:$0x3FDB];
	_ =	sdelay $0x1  }
0x99: {  	s19 =	simm.s32 $_scs_section_size  }
0x9a: {  	s4 =	simm.s32 $_size__tile_overlayer_lowered;
	s5 =	simm.s32 $_tile_overlayer_lowered  }
0x9b: {  	s22 =	simm.s32 $0x1BFF;
	s21 =	sshll.u32 s5, $0x1;
	s2 =	sadd.s32 s19, s18  }
0x9c: {  	s6 =	simm.s32 $0x0;
	s20 =	sshll.u32 s4, $0x1;
	s4 =	sadd.s32 s21, s2  }
0x9d: {  	[timem:s6], [sflag:s22] =	dma.local [hbm:s4], s20  }
0x9e: {  	_ =	swait.ge [sflag:s22], s20  }
0x9f: {  	s3 =	ssub.s32 $0x0, s20;
	[sflag:s22] =	ssyncset.done $0x0  }
0xa0: {  	[sflag:s22] =	ssyncadd.s32 s3;
	_ =	sdelay $0x1  }
0xa1: {  	s23 =	simm.s32 $0x1B8B  }
0xa2: {  	_ =	swait.ge [sflag:s23], $0x1  }
0xa3: {  	[sflag:s23] =	ssyncset.done $0x0  }
0xa4: {  	s25 =	simm.s32 $0x1B8E;
	s24 =	sld [smem:$0x3FFE];
	[sflag:s23] =	ssyncadd.s32 $0xFFFFFFFF  }
0xa5: {  	s26 =	simm.s32 $execute0_lowered;
	[smem:$0x3FD2] =	sst s25  }
0xa6: {  	s4 =	sshll.u32 s26, $0x1;
	_ =	strace $0x80000046;
	[dreg:$0x1] =	wrdreg $0xFFFFFFFF  }
0xa7: {  	s28 =	simm.s32 $_size_execute0_lowered;
	s2 =	sadd.s32 s2, s4;
	[dreg:$0x0] =	wrdreg $0x0  }
0xa8: {  	s4 =	sshll.u32 s28, $0x1;
	[dreg:$0x2] =	wrdreg s2  }
0xa9: {  	[dreg:$0x3] =	wrdreg s4  }
0xaa: {  	[dreg:$0x4] =	wrdreg $0xC0  }
0xab: {  	_ =	task [dreg:s6], $0x5FFFF  }
0xac: {  	[dreg:$0x1] =	wrdreg $0xFFFFFFFF  }
0xad: {  	[dreg:$0x0] =	wrdreg $0x60  }
0xae: {  	[dreg:$0x2] =	wrdreg s24  }
0xaf: {  	[dreg:$0x3] =	wrdreg $0x2B000  }
0xb0: {  	[dreg:$0x4] =	wrdreg $0x9  }
0xb1: {  	_ =	task.clear_ibuf [dreg:s6], $0x5FFFF;
	_ =	strace $0x90000046  }
0xb2: {  	s29 =	simm.s32 $0x9;
	_ =	strace $0x80000048  }
0xb3: {  	_ =	swait.ge [sflag:s29], $0x1  }
0xb4: {  	[sflag:s29] =	ssyncadd.s32 $0xFFFFFFFF  }
0xb5: {  	_ =	strace $0x90000048  }
0xb6: {  	_ =	sfence  }
0xb7: {  	s30 =	sld [smem:$0x0];
	_ =	sdelay $0x2  }
0xb8: {  	s31 =	sshll.u32 s1, $0xD;
	s1 =	sshrl.u32 s1, $0x2  }
0xb9: {  	s3 =	sand.u32 $0x4000, s31;
	s1 =	sadd.s32 s1, s30  }
0xba: {  	s0 =	sor.u32 s3, s0;
	s1 =	sshll.u32 s1, $0x11  }
0xbb: {  	s0 =	sor.u32 s1, s0  }
0xbc: {  	s0 =	sadd.s32 $0x8F2B, s0  }
0xbd: {  	[sflag:s0] =	ssyncadd.remote.s32 $0x1  }
0xbe: {  	_ =	sfence.sel $0xFFFF  }
0xbf: {  	[dreg:$0x0] =	wrdreg $0xFFFFFFFF;
	(pc) =	sbr.abs _section_cstart, $3  }
0xc0: {  	[dreg:$0x1] =	wrdreg $0xFFFFFFFF  }
0xc1: {  	_ =	task.clear_ibuf [dreg:s6], $0x2FFFF;
	_ =	strace $0x9FFFFFFF  }
0xc2: {  	(tm) =	ssettm $0x7FFFFFFF  }
0xc3: {  	_ =	shalt  }
tec
execute0_lowered:
.L_overlay_start_1:
0x0: {  	(tag) =	ssettag $0x1  }
0x1: {  	s1 =	srdreg.scid  }
0x2: {  	s0 =	stileid.u32;
	s6 =	rddreg [dreg:$0x0]  }
0x3: {  	s2 =	rddreg [dreg:$0x1];
	s3 =	simm.s32 $0x0;
	s12 =	simm.s32 $0x2880  }
0x4: {  	s13 =	simm.s32 $0x80;
	s16 =	simm.s32 $0x20;
	s17 =	simm.s32 $0x10  }
0x5: {  	s18 =	simm.s32 $0x0;
	s7 =	sand.u32 $0x1, s1;
	s1 =	rddreg [dreg:$0x2]  }
0x6: {  	s30 =	sshll.u32 s0, $0x1;
	[smem:$0x7FF] =	sst s3;
	s5 =	smul.u32 $0x500, s0  }
0x7: {  	s10 =	smul.u32 $0xA00, s0;
	s14 =	sshll.u32 s0, $0x6;
	s4 =	sor.u32 s7, s30  }
0x8: {  	_ =	strace $0x80000047;
	s9 =	sshll.u32 s7, $0x7;
	s7 =	ssub.s32 $0x2, s7  }
0x9: {  	s14 =	sor.u32 $0x1C01, s14;
	s4 =	smul.u32 $0x500, s4;
	s9 =	sor.u32 s9, s5  }
0xa: {  	s5 =	sadd.s32 $0xC000, s6;
	s31 =	sshrl.u32 s7, $0x1;
	s10 =	sshrl.u32 s10, $0x2  }
0xb: {  	s9 =	sshrl.u32 s9, $0x3;
	s11 =	ssub.s32 s7, s31;
	s8 =	sadd.s32 s4, s6  }
0xc: {  	s4 =	sadd.s32 $0xBE00, s6;
	s9 =	sadd.s32 s9, s6;
	s6 =	sadd.s32 s10, s2  }
0xd: {  	s10 =	simm.s32 $0x2800;
	s7 =	sadd.s32 $0x1E00, s8;
	s8 =	sadd.s32 $0xC200, s9  }
0xe: {  	s9 =	smax.u32 s11, $0x1;
	s11 =	simm.s32 $0x1;
	s15 =	sshrl.u32 s6, $0x3  }
.LBB2_1:
0xf: {  	[tilespmem:s10], [sflag:$0x1] =	stream.linear.gather [hbm4b:s4+s3], $0x80, $0x38;
	[tilespmem:$0x2D80] =	vst v63  }
0x10: {  	_ =	swait.ge [sflag:s11], $0x80  }
0x11: {  	[sflag:s11] =	ssyncset.done $0x0  }
0x12: {  	[sflag:s11] =	ssyncadd.s32 $0xFFFFFF80  }
0x13: {  	[tilespmem:s12], [sflag:$0x1] =	stream.linear.gather [hbm4b:s5+s3], $0x280, $0x38;
	[tilespmem:$0x2D80] =	vst v63  }
0x14: {  	_ =	swait.ge [sflag:s11], $0x280  }
0x15: {  	[sflag:s11] =	ssyncset.done $0x0  }
0x16: {  	[sflag:s11] =	ssyncadd.s32 $0xFFFFFD80  }
0x17: {  	[spmem:s6] =	stream.linear.scatter [tilespmem:s12], [sflag:$0x1], $0x280, $0x38;
	[tilespmem:$0x2D80] =	vst v63  }
0x18: {  	_ =	swait.ge [sflag:s11], $0x280  }
0x19: {  	[sflag:s11] =	ssyncset.done $0x0  }
0x1a: {  	[sflag:s11] =	ssyncadd.s32 $0xFFFFFD80  }
0x1b: {  	[bflag:$0x0] =	sbarrier.arrive $0xFFFF  }
0x1c: {  	[tilespmem:s3], [sflag:$0x1] =	stream.linear.gather [hbm4b:s7+s3], $0x2780, $0x38;
	[tilespmem:$0x2D80] =	vst v63  }
0x1d: {  	_ =	swait.ge [sflag:s11], $0x2780  }
0x1e: {  	[sflag:s11] =	ssyncset.done $0x0  }
0x1f: {  	s19 =	simm.s32 $0x0;
	[sflag:s11] =	ssyncadd.s32 $0xFFFFD880  }
0x20: {  	[spmem:s2] =	stream.indirect.scatter.add.f32 [tilespmem:s10], [sflag:$0x1], $0x1, s19, s13, $0xb8;
	[tilespmem:$0x2D80] =	vst v63  }
0x21: {  	_ =	swait.ge [sflag:s11], $0x80  }
0x22: {  	s19 =	simm.s32 $0x200;
	[sflag:s11] =	ssyncset.done $0x0  }
.LBB2_2:
0x23: {  	s20 =	sshra.s32 s19, $0x2;
	[sflag:s11] =	ssyncadd.s32 $0xFFFFFF80;
	p0 =	sne.s32 s19, $0x9C00  }
0x24: {  	[spmem:s2] =	stream.indirect.scatter.add.f32 [tilespmem:s10], [sflag:$0x1], $0x1, s20, s13, $0xb8;
	[tilespmem:$0x2D80] =	vst v63  }
.Ltmp0:
0x25: {  	_ = 	snop;
	(pc) =	sbr.rel @p0 .LBB2_2-.Ltmp0, $4  }
0x26: {  	_ = 	snop  }
0x27: {  	s19 =	sadd.s32 $0x200, s19  }
0x28: {  	_ =	swait.ge [sflag:s11], $0x80  }
0x29: {  	[sflag:s11] =	ssyncset.done $0x0  }
0x2a: {  	s18 =	sadd.s32 $0x1, s18  }
0x2b: {  	[sflag:s11] =	ssyncadd.s32 $0xFFFFFF80;
	p0 =	sne.s32 s18, s9  }
.Ltmp1:
0x2c: {  	[bflag:$0x0] =	sbarrier.arrive $0xFFFF;
	(pc) =	sbr.rel @p0 .LBB2_1-.Ltmp1, $4  }
0x2d: {  	[hbm:s8@s16], [sflag:s14] =	dma.strided [spmem:s15@s17], $0x50, s11, $0x10   }
0x2e: {  	_ =	swait.ge [sflag:s11], $0x50  }
0x2f: {  	[sflag:s11] =	ssyncset.done $0x0  }
0x30: {  	[sflag:s11] =	ssyncadd.s32 $0xFFFFFFB0  }
0x31: {  	_ =	sfence.sel $0x180000  }
0x32: {  	[bflag:$0x0] =	sbarrier.arrive $0xFFFF  }
0x33: {  	p0 =	sne.s32 s0, $0x0;
	_ =	strace $0x90000047  }
0x34: {  	s0 =	sadd.s32 @!p0 $0x100000, s1;
	[bflag:$0x2] =	sbarrier.arrive $0xFFFF  }
0x35: {  	[sflag:s0] =	ssyncadd.tile.s32 @!p0 $0x1;
	_ =	shalt  }
.Lfunc_end2:
_tile_overlayer_lowered:
.L_overlay_start_2:
0x36: {  	(tag) =	ssettag $0x2  }
0x37: {  	s0 =	rddreg [dreg:$0x0];
	s2 =	stileid.u32  }
0x38: {  	s1 =	rddreg [dreg:$0x1];
	p0 =	sne.s32 s2, $0x0  }
0x39: {  	s3 =	rddreg [dreg:$0x2];
	[bflag:$0x3] =	sbarrier.arrive $0xFFFF;
	s2 =	simm.s32 @!p0 $0x1C01  }
0x3a: {  	[timem:s3], [sflag:s2] =	dma.local @!p0 [hbm:s0], s1  }
0x3b: {  	s0 =	simm.s32 @!p0 $0x1  }
0x3c: {  	_ =	swait.ge @!p0 [sflag:s0], s1  }
0x3d: {  	s1 =	ssub.s32 @!p0 $0x0, s1;
	[sflag:s0] =	ssyncset.done @!p0 $0x0  }
0x3e: {  	[sflag:s0] =	ssyncadd.s32 @!p0 s1  }
0x3f: {  	[bflag:$0x3] =	sbarrier.arrive $0xFFFF  }
0x40: {  	_ =	shalt  }

</sc_bundles>
